<compile_context>
chip_gen: v7x
topology: tpu7x:2x2x1
jax: 0.10.2.dev20260603
libtpu: 0.0.44.dev20260713+nightly
codegen_flags: <defaults>
</compile_context>

<pallas_src>
import functools

import jax
import jax.numpy as jnp
from jax import lax
from jax.experimental import pallas as pl
from jax.experimental.pallas import tpu as pltpu
from jax.experimental.pallas import tpu_sc as plsc

VOCAB = 1000000
EMBED_DIM = 32
BATCH = 4096
HIST = 200

_INFO = plsc.get_sparse_core_info()
NC = _INFO.num_cores
NS = _INFO.num_subcores
NW = NC * NS

B_TOTAL = BATCH * HIST
ROWS_PER_GATHER = 128
H_TILES = HIST // 8
B_BLOCKS = BATCH // ROWS_PER_GATHER
CHUNK_GATHERS = 10
CHUNK_ROWS = CHUNK_GATHERS * ROWS_PER_GATHER
N_CHUNKS = HIST // CHUNK_GATHERS


def _make_gather():
    mesh = plsc.VectorSubcoreMesh(core_axis_name="c", subcore_axis_name="s")

    @functools.partial(
        pl.kernel,
        out_type=jax.ShapeDtypeStruct((HIST, BATCH, EMBED_DIM), jnp.float32),
        mesh=mesh,
        scratch_types=[
            pltpu.VMEM((H_TILES, 8, ROWS_PER_GATHER), jnp.int32),
            pltpu.VMEM((CHUNK_ROWS, EMBED_DIM), jnp.float32),
            pltpu.SemaphoreType.DMA,
        ],
        compiler_params=pltpu.CompilerParams(use_tc_tiling_on_sc=False),
    )
    def k(table_hbm, idx_hbm, out_hbm, idx_v, rows_v, sem):
        wid = lax.axis_index("s") * NC + lax.axis_index("c")
        pltpu.sync_copy(idx_hbm.at[:, wid], idx_v)
        col_base = wid * ROWS_PER_GATHER

        def chunk_body(c, _):
            descs = []
            for g in range(CHUNK_GATHERS):
                h = c * CHUNK_GATHERS + g
                descs.append(pltpu.async_copy(
                    table_hbm.at[idx_v.at[h // 8, h % 8]],
                    rows_v.at[pl.ds(g * ROWS_PER_GATHER, ROWS_PER_GATHER)],
                    sem))
            for d in descs:
                d.wait()
            for g in range(CHUNK_GATHERS):
                h = c * CHUNK_GATHERS + g
                pltpu.sync_copy(
                    rows_v.at[pl.ds(g * ROWS_PER_GATHER, ROWS_PER_GATHER)],
                    out_hbm.at[h, pl.ds(col_base, ROWS_PER_GATHER)])
            return ()

        lax.fori_loop(0, N_CHUNKS, chunk_body, ())

    return k


_gather = _make_gather()


def kernel(inp, lengths, table):
    del lengths
    idx = jnp.clip(inp.astype(jnp.int32), 0, VOCAB - 1)
    idx = (idx.T.reshape(H_TILES, 8, B_BLOCKS, ROWS_PER_GATHER)
           .transpose(0, 2, 1, 3))
    out = _gather(table, idx)
    return out.transpose(1, 0, 2)

# --- scband reference (transcript-rebuilt; emitter-appended) ---
"""Pipeline reference for scband-word-embedding-45801531244724 (READ-ONLY COPY).

The authoritative reference and input builder live on the scoring server;
editing this copy changes nothing except your own understanding.
"""

import jax, jax.numpy as jnp
import numpy as np

VOCAB = 1000000
EMBED_DIM = 32
BATCH = 4096
HIST = 200

def setup_inputs(seed: int = 0) -> dict:
    key = jax.random.key(seed)
    k1, k2, k3 = jax.random.split(key, 3)
    table = jax.random.normal(k1, (VOCAB, EMBED_DIM), dtype=jnp.float32)
    inp = jax.random.randint(k2, (BATCH, HIST), 0, VOCAB, dtype=jnp.int64 if jax.config.jax_enable_x64 else jnp.int32)
    lengths = jax.random.randint(k3, (BATCH,), 0, HIST, dtype=jnp.int64 if jax.config.jax_enable_x64 else jnp.int32)
    return {"inp": inp, "lengths": lengths, "table": table}

def reference(inp, lengths, table):
    # WordEmbedding.forward: emb_batch_vec = self.embedding(inp); lengths unused
    emb_batch_vec = jnp.take(table, inp, axis=0)
    return emb_batch_vec

if __name__ == "__main__":
    import jax
    _d = setup_inputs()
    print(jax.jit(kernel)(*tuple(_d.values())))

</pallas_src>

<mosaic_0001>
#map = affine_map<(d0, d1) -> (0, 0)>
#map1 = affine_map<(d0, d1) -> (0, 0, 0, 0)>
#map2 = affine_map<(d0, d1) -> (0, 0, 0)>
module attributes {stable_mosaic.version = 14 : i64} {
  func.func @k(%arg0: i32, %arg1: i32, %arg2: memref<1000000x32xf32, #tpu.memory_space<hbm>>, %arg3: memref<25x32x8x128xi32, #tpu.memory_space<hbm>>, %arg4: memref<200x4096x32xf32, #tpu.memory_space<hbm>>, %arg5: memref<25x8x128xi32, #tpu.memory_space<vmem>>, %arg6: memref<1280x32xf32, #tpu.memory_space<vmem>>, %arg7: memref<!tpu.dma_semaphore, #tpu.memory_space<semaphore_mem>>) attributes {dimension_semantics = [#tpu.dimension_semantics<core_parallel>, #tpu.dimension_semantics<subcore_parallel>], iteration_bounds = array<i64: 2, 16>, scalar_prefetch = 0 : i64, scratch_operands = 3 : i64, tpu.core_type = #tpu.core_type<sc_vector_subcore>, window_params = [{transform_indices = #map}, {transform_indices = #map1}, {transform_indices = #map2}]} {
    %mul3A = arith.constant 2 : i32
    %mul3A_0 = arith.muli %arg1, %mul3A : i32
    %add3A = arith.addi %mul3A_0, %arg0 : i32
    "tpu.region"() ({
      %run_scoped3A = tpu.sem_alloc : memref<!tpu.dma_semaphore, #tpu.memory_space<semaphore_mem>>
      %dma_start3A = arith.constant 0 : i32
      %dma_start3A_7 = arith.constant 0 : i32
      %dma_start3A_8 = arith.constant 0 : i32
      %dma_start3A_9 = tpu.memref_slice %arg3[%dma_start3A, %add3A, %dma_start3A_7, %dma_start3A_8] : memref<25x32x8x128xi32, #tpu.memory_space<hbm>> -> memref<25x1x8x128xi32, #tpu.memory_space<hbm>>
      %dma_start3A_10 = tpu.memref_squeeze %dma_start3A_9 : memref<25x1x8x128xi32, #tpu.memory_space<hbm>> -> memref<25x8x128xi32, #tpu.memory_space<hbm>>
      %dma_start3A_11 = arith.constant 0 : i32
      %dma_start3A_12 = arith.constant 0 : i32
      %dma_start3A_13 = arith.constant 0 : i32
      %dma_start3A_14 = tpu.memref_slice %arg3[%dma_start3A_11, %add3A, %dma_start3A_12, %dma_start3A_13] : memref<25x32x8x128xi32, #tpu.memory_space<hbm>> -> memref<25x1x8x128xi32, #tpu.memory_space<hbm>>
      %dma_start3A_15 = tpu.memref_squeeze %dma_start3A_14 : memref<25x1x8x128xi32, #tpu.memory_space<hbm>> -> memref<25x8x128xi32, #tpu.memory_space<hbm>>
      tpu.enqueue_dma source(%dma_start3A_15 : memref<25x8x128xi32, #tpu.memory_space<hbm>>) target(%arg5 : memref<25x8x128xi32, #tpu.memory_space<vmem>>) target_semaphore(%run_scoped3A : memref<!tpu.dma_semaphore, #tpu.memory_space<semaphore_mem>>)
      %dma_wait3A = arith.constant 0 : i32
      %dma_wait3A_16 = arith.constant 0 : i32
      %dma_wait3A_17 = arith.constant 0 : i32
      %dma_wait3A_18 = tpu.memref_slice %arg3[%dma_wait3A, %add3A, %dma_wait3A_16, %dma_wait3A_17] : memref<25x32x8x128xi32, #tpu.memory_space<hbm>> -> memref<25x1x8x128xi32, #tpu.memory_space<hbm>>
      %dma_wait3A_19 = tpu.memref_squeeze %dma_wait3A_18 : memref<25x1x8x128xi32, #tpu.memory_space<hbm>> -> memref<25x8x128xi32, #tpu.memory_space<hbm>>
      %dma_wait3A_20 = arith.constant 0 : i32
      %dma_wait3A_21 = arith.constant 0 : i32
      %dma_wait3A_22 = arith.constant 0 : i32
      %dma_wait3A_23 = tpu.memref_slice %arg3[%dma_wait3A_20, %add3A, %dma_wait3A_21, %dma_wait3A_22] : memref<25x32x8x128xi32, #tpu.memory_space<hbm>> -> memref<25x1x8x128xi32, #tpu.memory_space<hbm>>
      %dma_wait3A_24 = tpu.memref_squeeze %dma_wait3A_23 : memref<25x1x8x128xi32, #tpu.memory_space<hbm>> -> memref<25x8x128xi32, #tpu.memory_space<hbm>>
      tpu.wait_dma2 semaphore(%run_scoped3A : memref<!tpu.dma_semaphore, #tpu.memory_space<semaphore_mem>>) src(%dma_wait3A_24 : memref<25x8x128xi32, #tpu.memory_space<hbm>>) dst(%arg5 : memref<25x8x128xi32, #tpu.memory_space<vmem>>)
      tpu.yield
    }) : () -> ()
    %mul3A_1 = arith.constant 128 : i32
    %mul3A_2 = arith.muli %add3A, %mul3A_1 : i32
    %scan3A = arith.constant 0 : i32
    %scan3A_3 = arith.constant 20 : i32
    %scan3A_4 = arith.addi %scan3A, %scan3A_3 : i32
    %scan3A_5 = arith.constant 1 : i32
    scf.for %scan3A_7 = %scan3A to %scan3A_4 step %scan3A_5  : i32 {
      %mul3A_8 = arith.constant 10 : i32
      %mul3A_9 = arith.muli %scan3A_7, %mul3A_8 : i32
      %add3A_10 = arith.constant 0 : i32
      %add3A_11 = arith.addi %mul3A_9, %add3A_10 : i32
      %jit3A = arith.constant 8 : i32
      %div3A = arith.divsi %add3A_11, %jit3A : i32
      %sign3A = arith.constant 0 : i32
      %sign3A_12 = arith.cmpi sgt, %add3A_11, %sign3A : i32
      %sign3A_13 = arith.extui %sign3A_12 : i1 to i32
      %sign3A_14 = arith.constant 0 : i32
      %sign3A_15 = arith.cmpi slt, %add3A_11, %sign3A_14 : i32
      %sign3A_16 = arith.extui %sign3A_15 : i1 to i32
      %sign3A_17 = arith.subi %sign3A_13, %sign3A_16 : i32
      %sign3A_18 = arith.constant 0 : i32
      %sign3A_19 = arith.cmpi sgt, %jit3A, %sign3A_18 : i32
      %sign3A_20 = arith.extui %sign3A_19 : i1 to i32
      %sign3A_21 = arith.constant 0 : i32
      %sign3A_22 = arith.cmpi slt, %jit3A, %sign3A_21 : i32
      %sign3A_23 = arith.extui %sign3A_22 : i1 to i32
      %sign3A_24 = arith.subi %sign3A_20, %sign3A_23 : i32
      %ne3A = arith.cmpi ne, %sign3A_17, %sign3A_24 : i32
      %rem3A = arith.remsi %add3A_11, %jit3A : i32
      %ne3A_25 = arith.constant 0 : i32
      %ne3A_26 = arith.cmpi ne, %rem3A, %ne3A_25 : i32
      %and3A = arith.andi %ne3A, %ne3A_26 : i1
      %sub3A = arith.constant 1 : i32
      %sub3A_27 = arith.subi %div3A, %sub3A : i32
      %select_n3A = arith.select %and3A, %sub3A_27, %div3A : i32
      %jit3A_28 = arith.constant 8 : i32
      %eq3A = arith.constant 0 : i32
      %eq3A_29 = arith.cmpi eq, %jit3A_28, %eq3A : i32
      %jit3A_30 = arith.constant 1 : i32
      %select_n3A_31 = arith.select %eq3A_29, %jit3A_30, %jit3A_28 : i32
      %rem3A_32 = arith.remsi %add3A_11, %select_n3A_31 : i32
      %ne3A_33 = arith.constant 0 : i32
      %ne3A_34 = arith.cmpi ne, %rem3A_32, %ne3A_33 : i32
      %lt3A = arith.constant 0 : i32
      %lt3A_35 = arith.cmpi slt, %rem3A_32, %lt3A : i32
      %lt3A_36 = arith.constant 0 : i32
      %lt3A_37 = arith.cmpi slt, %select_n3A_31, %lt3A_36 : i32
      %ne3A_38 = arith.xori %lt3A_35, %lt3A_37 : i1
      %and3A_39 = arith.andi %ne3A_38, %ne3A_34 : i1
      %add3A_40 = arith.addi %rem3A_32, %select_n3A_31 : i32
      %select_n3A_41 = arith.select %and3A_39, %add3A_40, %rem3A_32 : i32
      %dma_start3A = arith.constant 0 : i32
      %dma_start3A_42 = arith.constant 0 : i32
      %dma_start3A_43 = tpu.memref_slice %arg6[%dma_start3A, %dma_start3A_42] : memref<1280x32xf32, #tpu.memory_space<vmem>> -> memref<128x32xf32, #tpu.memory_space<vmem>>
      %dma_start3A_44 = arith.constant 0 : i32
      %dma_start3A_45 = tpu.memref_slice %arg5[%select_n3A, %select_n3A_41, %dma_start3A_44] : memref<25x8x128xi32, #tpu.memory_space<vmem>> -> memref<1x1x128xi32, #tpu.memory_space<vmem>>
      %dma_start3A_46 = tpu.memref_squeeze %dma_start3A_45 : memref<1x1x128xi32, #tpu.memory_space<vmem>> -> memref<128xi32, #tpu.memory_space<vmem>>
      %dma_start3A_47 = arith.constant 0 : i32
      %dma_start3A_48 = arith.constant 0 : i32
      %dma_start3A_49 = tpu.memref_slice %arg2[%dma_start3A_47, %dma_start3A_48] : memref<1000000x32xf32, #tpu.memory_space<hbm>> -> memref<1000000x32xf32, #tpu.memory_space<hbm>>
      tpu.enqueue_indirect_dma source(%dma_start3A_49 : memref<1000000x32xf32, #tpu.memory_space<hbm>>) target(%dma_start3A_43 : memref<128x32xf32, #tpu.memory_space<vmem>>) offsets(%dma_start3A_46 : memref<128xi32, #tpu.memory_space<vmem>>) semaphore(%arg7 : memref<!tpu.dma_semaphore, #tpu.memory_space<semaphore_mem>>)
      %mul3A_50 = arith.constant 10 : i32
      %mul3A_51 = arith.muli %scan3A_7, %mul3A_50 : i32
      %add3A_52 = arith.constant 1 : i32
      %add3A_53 = arith.addi %mul3A_51, %add3A_52 : i32
      %jit3A_54 = arith.constant 8 : i32
      %div3A_55 = arith.divsi %add3A_53, %jit3A_54 : i32
      %sign3A_56 = arith.constant 0 : i32
      %sign3A_57 = arith.cmpi sgt, %add3A_53, %sign3A_56 : i32
      %sign3A_58 = arith.extui %sign3A_57 : i1 to i32
      %sign3A_59 = arith.constant 0 : i32
      %sign3A_60 = arith.cmpi slt, %add3A_53, %sign3A_59 : i32
      %sign3A_61 = arith.extui %sign3A_60 : i1 to i32
      %sign3A_62 = arith.subi %sign3A_58, %sign3A_61 : i32
      %sign3A_63 = arith.constant 0 : i32
      %sign3A_64 = arith.cmpi sgt, %jit3A_54, %sign3A_63 : i32
      %sign3A_65 = arith.extui %sign3A_64 : i1 to i32
      %sign3A_66 = arith.constant 0 : i32
      %sign3A_67 = arith.cmpi slt, %jit3A_54, %sign3A_66 : i32
      %sign3A_68 = arith.extui %sign3A_67 : i1 to i32
      %sign3A_69 = arith.subi %sign3A_65, %sign3A_68 : i32
      %ne3A_70 = arith.cmpi ne, %sign3A_62, %sign3A_69 : i32
      %rem3A_71 = arith.remsi %add3A_53, %jit3A_54 : i32
      %ne3A_72 = arith.constant 0 : i32
      %ne3A_73 = arith.cmpi ne, %rem3A_71, %ne3A_72 : i32
      %and3A_74 = arith.andi %ne3A_70, %ne3A_73 : i1
      %sub3A_75 = arith.constant 1 : i32
      %sub3A_76 = arith.subi %div3A_55, %sub3A_75 : i32
      %select_n3A_77 = arith.select %and3A_74, %sub3A_76, %div3A_55 : i32
      %jit3A_78 = arith.constant 8 : i32
      %eq3A_79 = arith.constant 0 : i32
      %eq3A_80 = arith.cmpi eq, %jit3A_78, %eq3A_79 : i32
      %jit3A_81 = arith.constant 1 : i32
      %select_n3A_82 = arith.select %eq3A_80, %jit3A_81, %jit3A_78 : i32
      %rem3A_83 = arith.remsi %add3A_53, %select_n3A_82 : i32
      %ne3A_84 = arith.constant 0 : i32
      %ne3A_85 = arith.cmpi ne, %rem3A_83, %ne3A_84 : i32
      %lt3A_86 = arith.constant 0 : i32
      %lt3A_87 = arith.cmpi slt, %rem3A_83, %lt3A_86 : i32
      %lt3A_88 = arith.constant 0 : i32
      %lt3A_89 = arith.cmpi slt, %select_n3A_82, %lt3A_88 : i32
      %ne3A_90 = arith.xori %lt3A_87, %lt3A_89 : i1
      %and3A_91 = arith.andi %ne3A_90, %ne3A_85 : i1
      %add3A_92 = arith.addi %rem3A_83, %select_n3A_82 : i32
      %select_n3A_93 = arith.select %and3A_91, %add3A_92, %rem3A_83 : i32
      %dma_start3A_94 = arith.constant 128 : i32
      %dma_start3A_95 = arith.constant 0 : i32
      %dma_start3A_96 = tpu.memref_slice %arg6[%dma_start3A_94, %dma_start3A_95] : memref<1280x32xf32, #tpu.memory_space<vmem>> -> memref<128x32xf32, #tpu.memory_space<vmem>>
      %dma_start3A_97 = arith.constant 0 : i32
      %dma_start3A_98 = tpu.memref_slice %arg5[%select_n3A_77, %select_n3A_93, %dma_start3A_97] : memref<25x8x128xi32, #tpu.memory_space<vmem>> -> memref<1x1x128xi32, #tpu.memory_space<vmem>>
      %dma_start3A_99 = tpu.memref_squeeze %dma_start3A_98 : memref<1x1x128xi32, #tpu.memory_space<vmem>> -> memref<128xi32, #tpu.memory_space<vmem>>
      %dma_start3A_100 = arith.constant 0 : i32
      %dma_start3A_101 = arith.constant 0 : i32
      %dma_start3A_102 = tpu.memref_slice %arg2[%dma_start3A_100, %dma_start3A_101] : memref<1000000x32xf32, #tpu.memory_space<hbm>> -> memref<1000000x32xf32, #tpu.memory_space<hbm>>
      tpu.enqueue_indirect_dma source(%dma_start3A_102 : memref<1000000x32xf32, #tpu.memory_space<hbm>>) target(%dma_start3A_96 : memref<128x32xf32, #tpu.memory_space<vmem>>) offsets(%dma_start3A_99 : memref<128xi32, #tpu.memory_space<vmem>>) semaphore(%arg7 : memref<!tpu.dma_semaphore, #tpu.memory_space<semaphore_mem>>)
      %mul3A_103 = arith.constant 10 : i32
      %mul3A_104 = arith.muli %scan3A_7, %mul3A_103 : i32
      %add3A_105 = arith.constant 2 : i32
      %add3A_106 = arith.addi %mul3A_104, %add3A_105 : i32
      %jit3A_107 = arith.constant 8 : i32
      %div3A_108 = arith.divsi %add3A_106, %jit3A_107 : i32
      %sign3A_109 = arith.constant 0 : i32
      %sign3A_110 = arith.cmpi sgt, %add3A_106, %sign3A_109 : i32
      %sign3A_111 = arith.extui %sign3A_110 : i1 to i32
      %sign3A_112 = arith.constant 0 : i32
      %sign3A_113 = arith.cmpi slt, %add3A_106, %sign3A_112 : i32
      %sign3A_114 = arith.extui %sign3A_113 : i1 to i32
      %sign3A_115 = arith.subi %sign3A_111, %sign3A_114 : i32
      %sign3A_116 = arith.constant 0 : i32
      %sign3A_117 = arith.cmpi sgt, %jit3A_107, %sign3A_116 : i32
      %sign3A_118 = arith.extui %sign3A_117 : i1 to i32
      %sign3A_119 = arith.constant 0 : i32
      %sign3A_120 = arith.cmpi slt, %jit3A_107, %sign3A_119 : i32
      %sign3A_121 = arith.extui %sign3A_120 : i1 to i32
      %sign3A_122 = arith.subi %sign3A_118, %sign3A_121 : i32
      %ne3A_123 = arith.cmpi ne, %sign3A_115, %sign3A_122 : i32
      %rem3A_124 = arith.remsi %add3A_106, %jit3A_107 : i32
      %ne3A_125 = arith.constant 0 : i32
      %ne3A_126 = arith.cmpi ne, %rem3A_124, %ne3A_125 : i32
      %and3A_127 = arith.andi %ne3A_123, %ne3A_126 : i1
      %sub3A_128 = arith.constant 1 : i32
      %sub3A_129 = arith.subi %div3A_108, %sub3A_128 : i32
      %select_n3A_130 = arith.select %and3A_127, %sub3A_129, %div3A_108 : i32
      %jit3A_131 = arith.constant 8 : i32
      %eq3A_132 = arith.constant 0 : i32
      %eq3A_133 = arith.cmpi eq, %jit3A_131, %eq3A_132 : i32
      %jit3A_134 = arith.constant 1 : i32
      %select_n3A_135 = arith.select %eq3A_133, %jit3A_134, %jit3A_131 : i32
      %rem3A_136 = arith.remsi %add3A_106, %select_n3A_135 : i32
      %ne3A_137 = arith.constant 0 : i32
      %ne3A_138 = arith.cmpi ne, %rem3A_136, %ne3A_137 : i32
      %lt3A_139 = arith.constant 0 : i32
      %lt3A_140 = arith.cmpi slt, %rem3A_136, %lt3A_139 : i32
      %lt3A_141 = arith.constant 0 : i32
      %lt3A_142 = arith.cmpi slt, %select_n3A_135, %lt3A_141 : i32
      %ne3A_143 = arith.xori %lt3A_140, %lt3A_142 : i1
      %and3A_144 = arith.andi %ne3A_143, %ne3A_138 : i1
      %add3A_145 = arith.addi %rem3A_136, %select_n3A_135 : i32
      %select_n3A_146 = arith.select %and3A_144, %add3A_145, %rem3A_136 : i32
      %dma_start3A_147 = arith.constant 256 : i32
      %dma_start3A_148 = arith.constant 0 : i32
      %dma_start3A_149 = tpu.memref_slice %arg6[%dma_start3A_147, %dma_start3A_148] : memref<1280x32xf32, #tpu.memory_space<vmem>> -> memref<128x32xf32, #tpu.memory_space<vmem>>
      %dma_start3A_150 = arith.constant 0 : i32
      %dma_start3A_151 = tpu.memref_slice %arg5[%select_n3A_130, %select_n3A_146, %dma_start3A_150] : memref<25x8x128xi32, #tpu.memory_space<vmem>> -> memref<1x1x128xi32, #tpu.memory_space<vmem>>
      %dma_start3A_152 = tpu.memref_squeeze %dma_start3A_151 : memref<1x1x128xi32, #tpu.memory_space<vmem>> -> memref<128xi32, #tpu.memory_space<vmem>>
      %dma_start3A_153 = arith.constant 0 : i32
      %dma_start3A_154 = arith.constant 0 : i32
      %dma_start3A_155 = tpu.memref_slice %arg2[%dma_start3A_153, %dma_start3A_154] : memref<1000000x32xf32, #tpu.memory_space<hbm>> -> memref<1000000x32xf32, #tpu.memory_space<hbm>>
      tpu.enqueue_indirect_dma source(%dma_start3A_155 : memref<1000000x32xf32, #tpu.memory_space<hbm>>) target(%dma_start3A_149 : memref<128x32xf32, #tpu.memory_space<vmem>>) offsets(%dma_start3A_152 : memref<128xi32, #tpu.memory_space<vmem>>) semaphore(%arg7 : memref<!tpu.dma_semaphore, #tpu.memory_space<semaphore_mem>>)
      %mul3A_156 = arith.constant 10 : i32
      %mul3A_157 = arith.muli %scan3A_7, %mul3A_156 : i32
      %add3A_158 = arith.constant 3 : i32
      %add3A_159 = arith.addi %mul3A_157, %add3A_158 : i32
      %jit3A_160 = arith.constant 8 : i32
      %div3A_161 = arith.divsi %add3A_159, %jit3A_160 : i32
      %sign3A_162 = arith.constant 0 : i32
      %sign3A_163 = arith.cmpi sgt, %add3A_159, %sign3A_162 : i32
      %sign3A_164 = arith.extui %sign3A_163 : i1 to i32
      %sign3A_165 = arith.constant 0 : i32
      %sign3A_166 = arith.cmpi slt, %add3A_159, %sign3A_165 : i32
      %sign3A_167 = arith.extui %sign3A_166 : i1 to i32
      %sign3A_168 = arith.subi %sign3A_164, %sign3A_167 : i32
      %sign3A_169 = arith.constant 0 : i32
      %sign3A_170 = arith.cmpi sgt, %jit3A_160, %sign3A_169 : i32
      %sign3A_171 = arith.extui %sign3A_170 : i1 to i32
      %sign3A_172 = arith.constant 0 : i32
      %sign3A_173 = arith.cmpi slt, %jit3A_160, %sign3A_172 : i32
      %sign3A_174 = arith.extui %sign3A_173 : i1 to i32
      %sign3A_175 = arith.subi %sign3A_171, %sign3A_174 : i32
      %ne3A_176 = arith.cmpi ne, %sign3A_168, %sign3A_175 : i32
      %rem3A_177 = arith.remsi %add3A_159, %jit3A_160 : i32
      %ne3A_178 = arith.constant 0 : i32
      %ne3A_179 = arith.cmpi ne, %rem3A_177, %ne3A_178 : i32
      %and3A_180 = arith.andi %ne3A_176, %ne3A_179 : i1
      %sub3A_181 = arith.constant 1 : i32
      %sub3A_182 = arith.subi %div3A_161, %sub3A_181 : i32
      %select_n3A_183 = arith.select %and3A_180, %sub3A_182, %div3A_161 : i32
      %jit3A_184 = arith.constant 8 : i32
      %eq3A_185 = arith.constant 0 : i32
      %eq3A_186 = arith.cmpi eq, %jit3A_184, %eq3A_185 : i32
      %jit3A_187 = arith.constant 1 : i32
      %select_n3A_188 = arith.select %eq3A_186, %jit3A_187, %jit3A_184 : i32
      %rem3A_189 = arith.remsi %add3A_159, %select_n3A_188 : i32
      %ne3A_190 = arith.constant 0 : i32
      %ne3A_191 = arith.cmpi ne, %rem3A_189, %ne3A_190 : i32
      %lt3A_192 = arith.constant 0 : i32
      %lt3A_193 = arith.cmpi slt, %rem3A_189, %lt3A_192 : i32
      %lt3A_194 = arith.constant 0 : i32
      %lt3A_195 = arith.cmpi slt, %select_n3A_188, %lt3A_194 : i32
      %ne3A_196 = arith.xori %lt3A_193, %lt3A_195 : i1
      %and3A_197 = arith.andi %ne3A_196, %ne3A_191 : i1
      %add3A_198 = arith.addi %rem3A_189, %select_n3A_188 : i32
      %select_n3A_199 = arith.select %and3A_197, %add3A_198, %rem3A_189 : i32
      %dma_start3A_200 = arith.constant 384 : i32
      %dma_start3A_201 = arith.constant 0 : i32
      %dma_start3A_202 = tpu.memref_slice %arg6[%dma_start3A_200, %dma_start3A_201] : memref<1280x32xf32, #tpu.memory_space<vmem>> -> memref<128x32xf32, #tpu.memory_space<vmem>>
      %dma_start3A_203 = arith.constant 0 : i32
      %dma_start3A_204 = tpu.memref_slice %arg5[%select_n3A_183, %select_n3A_199, %dma_start3A_203] : memref<25x8x128xi32, #tpu.memory_space<vmem>> -> memref<1x1x128xi32, #tpu.memory_space<vmem>>
      %dma_start3A_205 = tpu.memref_squeeze %dma_start3A_204 : memref<1x1x128xi32, #tpu.memory_space<vmem>> -> memref<128xi32, #tpu.memory_space<vmem>>
      %dma_start3A_206 = arith.constant 0 : i32
      %dma_start3A_207 = arith.constant 0 : i32
      %dma_start3A_208 = tpu.memref_slice %arg2[%dma_start3A_206, %dma_start3A_207] : memref<1000000x32xf32, #tpu.memory_space<hbm>> -> memref<1000000x32xf32, #tpu.memory_space<hbm>>
      tpu.enqueue_indirect_dma source(%dma_start3A_208 : memref<1000000x32xf32, #tpu.memory_space<hbm>>) target(%dma_start3A_202 : memref<128x32xf32, #tpu.memory_space<vmem>>) offsets(%dma_start3A_205 : memref<128xi32, #tpu.memory_space<vmem>>) semaphore(%arg7 : memref<!tpu.dma_semaphore, #tpu.memory_space<semaphore_mem>>)
      %mul3A_209 = arith.constant 10 : i32
      %mul3A_210 = arith.muli %scan3A_7, %mul3A_209 : i32
      %add3A_211 = arith.constant 4 : i32
      %add3A_212 = arith.addi %mul3A_210, %add3A_211 : i32
      %jit3A_213 = arith.constant 8 : i32
      %div3A_214 = arith.divsi %add3A_212, %jit3A_213 : i32
      %sign3A_215 = arith.constant 0 : i32
      %sign3A_216 = arith.cmpi sgt, %add3A_212, %sign3A_215 : i32
      %sign3A_217 = arith.extui %sign3A_216 : i1 to i32
      %sign3A_218 = arith.constant 0 : i32
      %sign3A_219 = arith.cmpi slt, %add3A_212, %sign3A_218 : i32
      %sign3A_220 = arith.extui %sign3A_219 : i1 to i32
      %sign3A_221 = arith.subi %sign3A_217, %sign3A_220 : i32
      %sign3A_222 = arith.constant 0 : i32
      %sign3A_223 = arith.cmpi sgt, %jit3A_213, %sign3A_222 : i32
      %sign3A_224 = arith.extui %sign3A_223 : i1 to i32
      %sign3A_225 = arith.constant 0 : i32
      %sign3A_226 = arith.cmpi slt, %jit3A_213, %sign3A_225 : i32
      %sign3A_227 = arith.extui %sign3A_226 : i1 to i32
      %sign3A_228 = arith.subi %sign3A_224, %sign3A_227 : i32
      %ne3A_229 = arith.cmpi ne, %sign3A_221, %sign3A_228 : i32
      %rem3A_230 = arith.remsi %add3A_212, %jit3A_213 : i32
      %ne3A_231 = arith.constant 0 : i32
      %ne3A_232 = arith.cmpi ne, %rem3A_230, %ne3A_231 : i32
      %and3A_233 = arith.andi %ne3A_229, %ne3A_232 : i1
      %sub3A_234 = arith.constant 1 : i32
      %sub3A_235 = arith.subi %div3A_214, %sub3A_234 : i32
      %select_n3A_236 = arith.select %and3A_233, %sub3A_235, %div3A_214 : i32
      %jit3A_237 = arith.constant 8 : i32
      %eq3A_238 = arith.constant 0 : i32
      %eq3A_239 = arith.cmpi eq, %jit3A_237, %eq3A_238 : i32
      %jit3A_240 = arith.constant 1 : i32
      %select_n3A_241 = arith.select %eq3A_239, %jit3A_240, %jit3A_237 : i32
      %rem3A_242 = arith.remsi %add3A_212, %select_n3A_241 : i32
      %ne3A_243 = arith.constant 0 : i32
      %ne3A_244 = arith.cmpi ne, %rem3A_242, %ne3A_243 : i32
      %lt3A_245 = arith.constant 0 : i32
      %lt3A_246 = arith.cmpi slt, %rem3A_242, %lt3A_245 : i32
      %lt3A_247 = arith.constant 0 : i32
      %lt3A_248 = arith.cmpi slt, %select_n3A_241, %lt3A_247 : i32
      %ne3A_249 = arith.xori %lt3A_246, %lt3A_248 : i1
      %and3A_250 = arith.andi %ne3A_249, %ne3A_244 : i1
      %add3A_251 = arith.addi %rem3A_242, %select_n3A_241 : i32
      %select_n3A_252 = arith.select %and3A_250, %add3A_251, %rem3A_242 : i32
      %dma_start3A_253 = arith.constant 512 : i32
      %dma_start3A_254 = arith.constant 0 : i32
      %dma_start3A_255 = tpu.memref_slice %arg6[%dma_start3A_253, %dma_start3A_254] : memref<1280x32xf32, #tpu.memory_space<vmem>> -> memref<128x32xf32, #tpu.memory_space<vmem>>
      %dma_start3A_256 = arith.constant 0 : i32
      %dma_start3A_257 = tpu.memref_slice %arg5[%select_n3A_236, %select_n3A_252, %dma_start3A_256] : memref<25x8x128xi32, #tpu.memory_space<vmem>> -> memref<1x1x128xi32, #tpu.memory_space<vmem>>
      %dma_start3A_258 = tpu.memref_squeeze %dma_start3A_257 : memref<1x1x128xi32, #tpu.memory_space<vmem>> -> memref<128xi32, #tpu.memory_space<vmem>>
      %dma_start3A_259 = arith.constant 0 : i32
      %dma_start3A_260 = arith.constant 0 : i32
      %dma_start3A_261 = tpu.memref_slice %arg2[%dma_start3A_259, %dma_start3A_260] : memref<1000000x32xf32, #tpu.memory_space<hbm>> -> memref<1000000x32xf32, #tpu.memory_space<hbm>>
      tpu.enqueue_indirect_dma source(%dma_start3A_261 : memref<1000000x32xf32, #tpu.memory_space<hbm>>) target(%dma_start3A_255 : memref<128x32xf32, #tpu.memory_space<vmem>>) offsets(%dma_start3A_258 : memref<128xi32, #tpu.memory_space<vmem>>) semaphore(%arg7 : memref<!tpu.dma_semaphore, #tpu.memory_space<semaphore_mem>>)
      %mul3A_262 = arith.constant 10 : i32
      %mul3A_263 = arith.muli %scan3A_7, %mul3A_262 : i32
      %add3A_264 = arith.constant 5 : i32
      %add3A_265 = arith.addi %mul3A_263, %add3A_264 : i32
      %jit3A_266 = arith.constant 8 : i32
      %div3A_267 = arith.divsi %add3A_265, %jit3A_266 : i32
      %sign3A_268 = arith.constant 0 : i32
      %sign3A_269 = arith.cmpi sgt, %add3A_265, %sign3A_268 : i32
      %sign3A_270 = arith.extui %sign3A_269 : i1 to i32
      %sign3A_271 = arith.constant 0 : i32
      %sign3A_272 = arith.cmpi slt, %add3A_265, %sign3A_271 : i32
      %sign3A_273 = arith.extui %sign3A_272 : i1 to i32
      %sign3A_274 = arith.subi %sign3A_270, %sign3A_273 : i32
      %sign3A_275 = arith.constant 0 : i32
      %sign3A_276 = arith.cmpi sgt, %jit3A_266, %sign3A_275 : i32
      %sign3A_277 = arith.extui %sign3A_276 : i1 to i32
      %sign3A_278 = arith.constant 0 : i32
      %sign3A_279 = arith.cmpi slt, %jit3A_266, %sign3A_278 : i32
      %sign3A_280 = arith.extui %sign3A_279 : i1 to i32
      %sign3A_281 = arith.subi %sign3A_277, %sign3A_280 : i32
      %ne3A_282 = arith.cmpi ne, %sign3A_274, %sign3A_281 : i32
      %rem3A_283 = arith.remsi %add3A_265, %jit3A_266 : i32
      %ne3A_284 = arith.constant 0 : i32
      %ne3A_285 = arith.cmpi ne, %rem3A_283, %ne3A_284 : i32
      %and3A_286 = arith.andi %ne3A_282, %ne3A_285 : i1
      %sub3A_287 = arith.constant 1 : i32
      %sub3A_288 = arith.subi %div3A_267, %sub3A_287 : i32
      %select_n3A_289 = arith.select %and3A_286, %sub3A_288, %div3A_267 : i32
      %jit3A_290 = arith.constant 8 : i32
      %eq3A_291 = arith.constant 0 : i32
      %eq3A_292 = arith.cmpi eq, %jit3A_290, %eq3A_291 : i32
      %jit3A_293 = arith.constant 1 : i32
      %select_n3A_294 = arith.select %eq3A_292, %jit3A_293, %jit3A_290 : i32
      %rem3A_295 = arith.remsi %add3A_265, %select_n3A_294 : i32
      %ne3A_296 = arith.constant 0 : i32
      %ne3A_297 = arith.cmpi ne, %rem3A_295, %ne3A_296 : i32
      %lt3A_298 = arith.constant 0 : i32
      %lt3A_299 = arith.cmpi slt, %rem3A_295, %lt3A_298 : i32
      %lt3A_300 = arith.constant 0 : i32
      %lt3A_301 = arith.cmpi slt, %select_n3A_294, %lt3A_300 : i32
      %ne3A_302 = arith.xori %lt3A_299, %lt3A_301 : i1
      %and3A_303 = arith.andi %ne3A_302, %ne3A_297 : i1
      %add3A_304 = arith.addi %rem3A_295, %select_n3A_294 : i32
      %select_n3A_305 = arith.select %and3A_303, %add3A_304, %rem3A_295 : i32
      %dma_start3A_306 = arith.constant 640 : i32
      %dma_start3A_307 = arith.constant 0 : i32
      %dma_start3A_308 = tpu.memref_slice %arg6[%dma_start3A_306, %dma_start3A_307] : memref<1280x32xf32, #tpu.memory_space<vmem>> -> memref<128x32xf32, #tpu.memory_space<vmem>>
      %dma_start3A_309 = arith.constant 0 : i32
      %dma_start3A_310 = tpu.memref_slice %arg5[%select_n3A_289, %select_n3A_305, %dma_start3A_309] : memref<25x8x128xi32, #tpu.memory_space<vmem>> -> memref<1x1x128xi32, #tpu.memory_space<vmem>>
      %dma_start3A_311 = tpu.memref_squeeze %dma_start3A_310 : memref<1x1x128xi32, #tpu.memory_space<vmem>> -> memref<128xi32, #tpu.memory_space<vmem>>
      %dma_start3A_312 = arith.constant 0 : i32
      %dma_start3A_313 = arith.constant 0 : i32
      %dma_start3A_314 = tpu.memref_slice %arg2[%dma_start3A_312, %dma_start3A_313] : memref<1000000x32xf32, #tpu.memory_space<hbm>> -> memref<1000000x32xf32, #tpu.memory_space<hbm>>
      tpu.enqueue_indirect_dma source(%dma_start3A_314 : memref<1000000x32xf32, #tpu.memory_space<hbm>>) target(%dma_start3A_308 : memref<128x32xf32, #tpu.memory_space<vmem>>) offsets(%dma_start3A_311 : memref<128xi32, #tpu.memory_space<vmem>>) semaphore(%arg7 : memref<!tpu.dma_semaphore, #tpu.memory_space<semaphore_mem>>)
      %mul3A_315 = arith.constant 10 : i32
      %mul3A_316 = arith.muli %scan3A_7, %mul3A_315 : i32
      %add3A_317 = arith.constant 6 : i32
      %add3A_318 = arith.addi %mul3A_316, %add3A_317 : i32
      %jit3A_319 = arith.constant 8 : i32
      %div3A_320 = arith.divsi %add3A_318, %jit3A_319 : i32
      %sign3A_321 = arith.constant 0 : i32
      %sign3A_322 = arith.cmpi sgt, %add3A_318, %sign3A_321 : i32
      %sign3A_323 = arith.extui %sign3A_322 : i1 to i32
      %sign3A_324 = arith.constant 0 : i32
      %sign3A_325 = arith.cmpi slt, %add3A_318, %sign3A_324 : i32
      %sign3A_326 = arith.extui %sign3A_325 : i1 to i32
      %sign3A_327 = arith.subi %sign3A_323, %sign3A_326 : i32
      %sign3A_328 = arith.constant 0 : i32
      %sign3A_329 = arith.cmpi sgt, %jit3A_319, %sign3A_328 : i32
      %sign3A_330 = arith.extui %sign3A_329 : i1 to i32
      %sign3A_331 = arith.constant 0 : i32
      %sign3A_332 = arith.cmpi slt, %jit3A_319, %sign3A_331 : i32
      %sign3A_333 = arith.extui %sign3A_332 : i1 to i32
      %sign3A_334 = arith.subi %sign3A_330, %sign3A_333 : i32
      %ne3A_335 = arith.cmpi ne, %sign3A_327, %sign3A_334 : i32
      %rem3A_336 = arith.remsi %add3A_318, %jit3A_319 : i32
      %ne3A_337 = arith.constant 0 : i32
      %ne3A_338 = arith.cmpi ne, %rem3A_336, %ne3A_337 : i32
      %and3A_339 = arith.andi %ne3A_335, %ne3A_338 : i1
      %sub3A_340 = arith.constant 1 : i32
      %sub3A_341 = arith.subi %div3A_320, %sub3A_340 : i32
      %select_n3A_342 = arith.select %and3A_339, %sub3A_341, %div3A_320 : i32
      %jit3A_343 = arith.constant 8 : i32
      %eq3A_344 = arith.constant 0 : i32
      %eq3A_345 = arith.cmpi eq, %jit3A_343, %eq3A_344 : i32
      %jit3A_346 = arith.constant 1 : i32
      %select_n3A_347 = arith.select %eq3A_345, %jit3A_346, %jit3A_343 : i32
      %rem3A_348 = arith.remsi %add3A_318, %select_n3A_347 : i32
      %ne3A_349 = arith.constant 0 : i32
      %ne3A_350 = arith.cmpi ne, %rem3A_348, %ne3A_349 : i32
      %lt3A_351 = arith.constant 0 : i32
      %lt3A_352 = arith.cmpi slt, %rem3A_348, %lt3A_351 : i32
      %lt3A_353 = arith.constant 0 : i32
      %lt3A_354 = arith.cmpi slt, %select_n3A_347, %lt3A_353 : i32
      %ne3A_355 = arith.xori %lt3A_352, %lt3A_354 : i1
      %and3A_356 = arith.andi %ne3A_355, %ne3A_350 : i1
      %add3A_357 = arith.addi %rem3A_348, %select_n3A_347 : i32
      %select_n3A_358 = arith.select %and3A_356, %add3A_357, %rem3A_348 : i32
      %dma_start3A_359 = arith.constant 768 : i32
      %dma_start3A_360 = arith.constant 0 : i32
      %dma_start3A_361 = tpu.memref_slice %arg6[%dma_start3A_359, %dma_start3A_360] : memref<1280x32xf32, #tpu.memory_space<vmem>> -> memref<128x32xf32, #tpu.memory_space<vmem>>
      %dma_start3A_362 = arith.constant 0 : i32
      %dma_start3A_363 = tpu.memref_slice %arg5[%select_n3A_342, %select_n3A_358, %dma_start3A_362] : memref<25x8x128xi32, #tpu.memory_space<vmem>> -> memref<1x1x128xi32, #tpu.memory_space<vmem>>
      %dma_start3A_364 = tpu.memref_squeeze %dma_start3A_363 : memref<1x1x128xi32, #tpu.memory_space<vmem>> -> memref<128xi32, #tpu.memory_space<vmem>>
      %dma_start3A_365 = arith.constant 0 : i32
      %dma_start3A_366 = arith.constant 0 : i32
      %dma_start3A_367 = tpu.memref_slice %arg2[%dma_start3A_365, %dma_start3A_366] : memref<1000000x32xf32, #tpu.memory_space<hbm>> -> memref<1000000x32xf32, #tpu.memory_space<hbm>>
      tpu.enqueue_indirect_dma source(%dma_start3A_367 : memref<1000000x32xf32, #tpu.memory_space<hbm>>) target(%dma_start3A_361 : memref<128x32xf32, #tpu.memory_space<vmem>>) offsets(%dma_start3A_364 : memref<128xi32, #tpu.memory_space<vmem>>) semaphore(%arg7 : memref<!tpu.dma_semaphore, #tpu.memory_space<semaphore_mem>>)
      %mul3A_368 = arith.constant 10 : i32
      %mul3A_369 = arith.muli %scan3A_7, %mul3A_368 : i32
      %add3A_370 = arith.constant 7 : i32
      %add3A_371 = arith.addi %mul3A_369, %add3A_370 : i32
      %jit3A_372 = arith.constant 8 : i32
      %div3A_373 = arith.divsi %add3A_371, %jit3A_372 : i32
      %sign3A_374 = arith.constant 0 : i32
      %sign3A_375 = arith.cmpi sgt, %add3A_371, %sign3A_374 : i32
      %sign3A_376 = arith.extui %sign3A_375 : i1 to i32
      %sign3A_377 = arith.constant 0 : i32
      %sign3A_378 = arith.cmpi slt, %add3A_371, %sign3A_377 : i32
      %sign3A_379 = arith.extui %sign3A_378 : i1 to i32
      %sign3A_380 = arith.subi %sign3A_376, %sign3A_379 : i32
      %sign3A_381 = arith.constant 0 : i32
      %sign3A_382 = arith.cmpi sgt, %jit3A_372, %sign3A_381 : i32
      %sign3A_383 = arith.extui %sign3A_382 : i1 to i32
      %sign3A_384 = arith.constant 0 : i32
      %sign3A_385 = arith.cmpi slt, %jit3A_372, %sign3A_384 : i32
      %sign3A_386 = arith.extui %sign3A_385 : i1 to i32
      %sign3A_387 = arith.subi %sign3A_383, %sign3A_386 : i32
      %ne3A_388 = arith.cmpi ne, %sign3A_380, %sign3A_387 : i32
      %rem3A_389 = arith.remsi %add3A_371, %jit3A_372 : i32
      %ne3A_390 = arith.constant 0 : i32
      %ne3A_391 = arith.cmpi ne, %rem3A_389, %ne3A_390 : i32
      %and3A_392 = arith.andi %ne3A_388, %ne3A_391 : i1
      %sub3A_393 = arith.constant 1 : i32
      %sub3A_394 = arith.subi %div3A_373, %sub3A_393 : i32
      %select_n3A_395 = arith.select %and3A_392, %sub3A_394, %div3A_373 : i32
      %jit3A_396 = arith.constant 8 : i32
      %eq3A_397 = arith.constant 0 : i32
      %eq3A_398 = arith.cmpi eq, %jit3A_396, %eq3A_397 : i32
      %jit3A_399 = arith.constant 1 : i32
      %select_n3A_400 = arith.select %eq3A_398, %jit3A_399, %jit3A_396 : i32
      %rem3A_401 = arith.remsi %add3A_371, %select_n3A_400 : i32
      %ne3A_402 = arith.constant 0 : i32
      %ne3A_403 = arith.cmpi ne, %rem3A_401, %ne3A_402 : i32
      %lt3A_404 = arith.constant 0 : i32
      %lt3A_405 = arith.cmpi slt, %rem3A_401, %lt3A_404 : i32
      %lt3A_406 = arith.constant 0 : i32
      %lt3A_407 = arith.cmpi slt, %select_n3A_400, %lt3A_406 : i32
      %ne3A_408 = arith.xori %lt3A_405, %lt3A_407 : i1
      %and3A_409 = arith.andi %ne3A_408, %ne3A_403 : i1
      %add3A_410 = arith.addi %rem3A_401, %select_n3A_400 : i32
      %select_n3A_411 = arith.select %and3A_409, %add3A_410, %rem3A_401 : i32
      %dma_start3A_412 = arith.constant 896 : i32
      %dma_start3A_413 = arith.constant 0 : i32
      %dma_start3A_414 = tpu.memref_slice %arg6[%dma_start3A_412, %dma_start3A_413] : memref<1280x32xf32, #tpu.memory_space<vmem>> -> memref<128x32xf32, #tpu.memory_space<vmem>>
      %dma_start3A_415 = arith.constant 0 : i32
      %dma_start3A_416 = tpu.memref_slice %arg5[%select_n3A_395, %select_n3A_411, %dma_start3A_415] : memref<25x8x128xi32, #tpu.memory_space<vmem>> -> memref<1x1x128xi32, #tpu.memory_space<vmem>>
      %dma_start3A_417 = tpu.memref_squeeze %dma_start3A_416 : memref<1x1x128xi32, #tpu.memory_space<vmem>> -> memref<128xi32, #tpu.memory_space<vmem>>
      %dma_start3A_418 = arith.constant 0 : i32
      %dma_start3A_419 = arith.constant 0 : i32
      %dma_start3A_420 = tpu.memref_slice %arg2[%dma_start3A_418, %dma_start3A_419] : memref<1000000x32xf32, #tpu.memory_space<hbm>> -> memref<1000000x32xf32, #tpu.memory_space<hbm>>
      tpu.enqueue_indirect_dma source(%dma_start3A_420 : memref<1000000x32xf32, #tpu.memory_space<hbm>>) target(%dma_start3A_414 : memref<128x32xf32, #tpu.memory_space<vmem>>) offsets(%dma_start3A_417 : memref<128xi32, #tpu.memory_space<vmem>>) semaphore(%arg7 : memref<!tpu.dma_semaphore, #tpu.memory_space<semaphore_mem>>)
      %mul3A_421 = arith.constant 10 : i32
      %mul3A_422 = arith.muli %scan3A_7, %mul3A_421 : i32
      %add3A_423 = arith.constant 8 : i32
      %add3A_424 = arith.addi %mul3A_422, %add3A_423 : i32
      %jit3A_425 = arith.constant 8 : i32
      %div3A_426 = arith.divsi %add3A_424, %jit3A_425 : i32
      %sign3A_427 = arith.constant 0 : i32
      %sign3A_428 = arith.cmpi sgt, %add3A_424, %sign3A_427 : i32
      %sign3A_429 = arith.extui %sign3A_428 : i1 to i32
      %sign3A_430 = arith.constant 0 : i32
      %sign3A_431 = arith.cmpi slt, %add3A_424, %sign3A_430 : i32
      %sign3A_432 = arith.extui %sign3A_431 : i1 to i32
      %sign3A_433 = arith.subi %sign3A_429, %sign3A_432 : i32
      %sign3A_434 = arith.constant 0 : i32
      %sign3A_435 = arith.cmpi sgt, %jit3A_425, %sign3A_434 : i32
      %sign3A_436 = arith.extui %sign3A_435 : i1 to i32
      %sign3A_437 = arith.constant 0 : i32
      %sign3A_438 = arith.cmpi slt, %jit3A_425, %sign3A_437 : i32
      %sign3A_439 = arith.extui %sign3A_438 : i1 to i32
      %sign3A_440 = arith.subi %sign3A_436, %sign3A_439 : i32
      %ne3A_441 = arith.cmpi ne, %sign3A_433, %sign3A_440 : i32
      %rem3A_442 = arith.remsi %add3A_424, %jit3A_425 : i32
      %ne3A_443 = arith.constant 0 : i32
      %ne3A_444 = arith.cmpi ne, %rem3A_442, %ne3A_443 : i32
      %and3A_445 = arith.andi %ne3A_441, %ne3A_444 : i1
      %sub3A_446 = arith.constant 1 : i32
      %sub3A_447 = arith.subi %div3A_426, %sub3A_446 : i32
      %select_n3A_448 = arith.select %and3A_445, %sub3A_447, %div3A_426 : i32
      %jit3A_449 = arith.constant 8 : i32
      %eq3A_450 = arith.constant 0 : i32
      %eq3A_451 = arith.cmpi eq, %jit3A_449, %eq3A_450 : i32
      %jit3A_452 = arith.constant 1 : i32
      %select_n3A_453 = arith.select %eq3A_451, %jit3A_452, %jit3A_449 : i32
      %rem3A_454 = arith.remsi %add3A_424, %select_n3A_453 : i32
      %ne3A_455 = arith.constant 0 : i32
      %ne3A_456 = arith.cmpi ne, %rem3A_454, %ne3A_455 : i32
      %lt3A_457 = arith.constant 0 : i32
      %lt3A_458 = arith.cmpi slt, %rem3A_454, %lt3A_457 : i32
      %lt3A_459 = arith.constant 0 : i32
      %lt3A_460 = arith.cmpi slt, %select_n3A_453, %lt3A_459 : i32
      %ne3A_461 = arith.xori %lt3A_458, %lt3A_460 : i1
      %and3A_462 = arith.andi %ne3A_461, %ne3A_456 : i1
      %add3A_463 = arith.addi %rem3A_454, %select_n3A_453 : i32
      %select_n3A_464 = arith.select %and3A_462, %add3A_463, %rem3A_454 : i32
      %dma_start3A_465 = arith.constant 1024 : i32
      %dma_start3A_466 = arith.constant 0 : i32
      %dma_start3A_467 = tpu.memref_slice %arg6[%dma_start3A_465, %dma_start3A_466] : memref<1280x32xf32, #tpu.memory_space<vmem>> -> memref<128x32xf32, #tpu.memory_space<vmem>>
      %dma_start3A_468 = arith.constant 0 : i32
      %dma_start3A_469 = tpu.memref_slice %arg5[%select_n3A_448, %select_n3A_464, %dma_start3A_468] : memref<25x8x128xi32, #tpu.memory_space<vmem>> -> memref<1x1x128xi32, #tpu.memory_space<vmem>>
      %dma_start3A_470 = tpu.memref_squeeze %dma_start3A_469 : memref<1x1x128xi32, #tpu.memory_space<vmem>> -> memref<128xi32, #tpu.memory_space<vmem>>
      %dma_start3A_471 = arith.constant 0 : i32
      %dma_start3A_472 = arith.constant 0 : i32
      %dma_start3A_473 = tpu.memref_slice %arg2[%dma_start3A_471, %dma_start3A_472] : memref<1000000x32xf32, #tpu.memory_space<hbm>> -> memref<1000000x32xf32, #tpu.memory_space<hbm>>
      tpu.enqueue_indirect_dma source(%dma_start3A_473 : memref<1000000x32xf32, #tpu.memory_space<hbm>>) target(%dma_start3A_467 : memref<128x32xf32, #tpu.memory_space<vmem>>) offsets(%dma_start3A_470 : memref<128xi32, #tpu.memory_space<vmem>>) semaphore(%arg7 : memref<!tpu.dma_semaphore, #tpu.memory_space<semaphore_mem>>)
      %mul3A_474 = arith.constant 10 : i32
      %mul3A_475 = arith.muli %scan3A_7, %mul3A_474 : i32
      %add3A_476 = arith.constant 9 : i32
      %add3A_477 = arith.addi %mul3A_475, %add3A_476 : i32
      %jit3A_478 = arith.constant 8 : i32
      %div3A_479 = arith.divsi %add3A_477, %jit3A_478 : i32
      %sign3A_480 = arith.constant 0 : i32
      %sign3A_481 = arith.cmpi sgt, %add3A_477, %sign3A_480 : i32
      %sign3A_482 = arith.extui %sign3A_481 : i1 to i32
      %sign3A_483 = arith.constant 0 : i32
      %sign3A_484 = arith.cmpi slt, %add3A_477, %sign3A_483 : i32
      %sign3A_485 = arith.extui %sign3A_484 : i1 to i32
      %sign3A_486 = arith.subi %sign3A_482, %sign3A_485 : i32
      %sign3A_487 = arith.constant 0 : i32
      %sign3A_488 = arith.cmpi sgt, %jit3A_478, %sign3A_487 : i32
      %sign3A_489 = arith.extui %sign3A_488 : i1 to i32
      %sign3A_490 = arith.constant 0 : i32
      %sign3A_491 = arith.cmpi slt, %jit3A_478, %sign3A_490 : i32
      %sign3A_492 = arith.extui %sign3A_491 : i1 to i32
      %sign3A_493 = arith.subi %sign3A_489, %sign3A_492 : i32
      %ne3A_494 = arith.cmpi ne, %sign3A_486, %sign3A_493 : i32
      %rem3A_495 = arith.remsi %add3A_477, %jit3A_478 : i32
      %ne3A_496 = arith.constant 0 : i32
      %ne3A_497 = arith.cmpi ne, %rem3A_495, %ne3A_496 : i32
      %and3A_498 = arith.andi %ne3A_494, %ne3A_497 : i1
      %sub3A_499 = arith.constant 1 : i32
      %sub3A_500 = arith.subi %div3A_479, %sub3A_499 : i32
      %select_n3A_501 = arith.select %and3A_498, %sub3A_500, %div3A_479 : i32
      %jit3A_502 = arith.constant 8 : i32
      %eq3A_503 = arith.constant 0 : i32
      %eq3A_504 = arith.cmpi eq, %jit3A_502, %eq3A_503 : i32
      %jit3A_505 = arith.constant 1 : i32
      %select_n3A_506 = arith.select %eq3A_504, %jit3A_505, %jit3A_502 : i32
      %rem3A_507 = arith.remsi %add3A_477, %select_n3A_506 : i32
      %ne3A_508 = arith.constant 0 : i32
      %ne3A_509 = arith.cmpi ne, %rem3A_507, %ne3A_508 : i32
      %lt3A_510 = arith.constant 0 : i32
      %lt3A_511 = arith.cmpi slt, %rem3A_507, %lt3A_510 : i32
      %lt3A_512 = arith.constant 0 : i32
      %lt3A_513 = arith.cmpi slt, %select_n3A_506, %lt3A_512 : i32
      %ne3A_514 = arith.xori %lt3A_511, %lt3A_513 : i1
      %and3A_515 = arith.andi %ne3A_514, %ne3A_509 : i1
      %add3A_516 = arith.addi %rem3A_507, %select_n3A_506 : i32
      %select_n3A_517 = arith.select %and3A_515, %add3A_516, %rem3A_507 : i32
      %dma_start3A_518 = arith.constant 1152 : i32
      %dma_start3A_519 = arith.constant 0 : i32
      %dma_start3A_520 = tpu.memref_slice %arg6[%dma_start3A_518, %dma_start3A_519] : memref<1280x32xf32, #tpu.memory_space<vmem>> -> memref<128x32xf32, #tpu.memory_space<vmem>>
      %dma_start3A_521 = arith.constant 0 : i32
      %dma_start3A_522 = tpu.memref_slice %arg5[%select_n3A_501, %select_n3A_517, %dma_start3A_521] : memref<25x8x128xi32, #tpu.memory_space<vmem>> -> memref<1x1x128xi32, #tpu.memory_space<vmem>>
      %dma_start3A_523 = tpu.memref_squeeze %dma_start3A_522 : memref<1x1x128xi32, #tpu.memory_space<vmem>> -> memref<128xi32, #tpu.memory_space<vmem>>
      %dma_start3A_524 = arith.constant 0 : i32
      %dma_start3A_525 = arith.constant 0 : i32
      %dma_start3A_526 = tpu.memref_slice %arg2[%dma_start3A_524, %dma_start3A_525] : memref<1000000x32xf32, #tpu.memory_space<hbm>> -> memref<1000000x32xf32, #tpu.memory_space<hbm>>
      tpu.enqueue_indirect_dma source(%dma_start3A_526 : memref<1000000x32xf32, #tpu.memory_space<hbm>>) target(%dma_start3A_520 : memref<128x32xf32, #tpu.memory_space<vmem>>) offsets(%dma_start3A_523 : memref<128xi32, #tpu.memory_space<vmem>>) semaphore(%arg7 : memref<!tpu.dma_semaphore, #tpu.memory_space<semaphore_mem>>)
      %dma_wait3A = arith.constant 0 : i32
      %dma_wait3A_527 = arith.constant 0 : i32
      %dma_wait3A_528 = tpu.memref_slice %arg6[%dma_wait3A, %dma_wait3A_527] : memref<1280x32xf32, #tpu.memory_space<vmem>> -> memref<128x32xf32, #tpu.memory_space<vmem>>
      %dma_wait3A_529 = arith.constant 0 : i32
      %dma_wait3A_530 = tpu.memref_slice %arg5[%select_n3A, %select_n3A_41, %dma_wait3A_529] : memref<25x8x128xi32, #tpu.memory_space<vmem>> -> memref<1x1x128xi32, #tpu.memory_space<vmem>>
      %dma_wait3A_531 = tpu.memref_squeeze %dma_wait3A_530 : memref<1x1x128xi32, #tpu.memory_space<vmem>> -> memref<128xi32, #tpu.memory_space<vmem>>
      %dma_wait3A_532 = arith.constant 0 : i32
      %dma_wait3A_533 = arith.constant 0 : i32
      %dma_wait3A_534 = tpu.memref_slice %arg2[%dma_wait3A_532, %dma_wait3A_533] : memref<1000000x32xf32, #tpu.memory_space<hbm>> -> memref<1000000x32xf32, #tpu.memory_space<hbm>>
      tpu.wait_indirect_dma semaphore(%arg7 : memref<!tpu.dma_semaphore, #tpu.memory_space<semaphore_mem>>) src(%dma_wait3A_534 : memref<1000000x32xf32, #tpu.memory_space<hbm>>) dst(%dma_wait3A_528 : memref<128x32xf32, #tpu.memory_space<vmem>>)
      %dma_wait3A_535 = arith.constant 128 : i32
      %dma_wait3A_536 = arith.constant 0 : i32
      %dma_wait3A_537 = tpu.memref_slice %arg6[%dma_wait3A_535, %dma_wait3A_536] : memref<1280x32xf32, #tpu.memory_space<vmem>> -> memref<128x32xf32, #tpu.memory_space<vmem>>
      %dma_wait3A_538 = arith.constant 0 : i32
      %dma_wait3A_539 = tpu.memref_slice %arg5[%select_n3A_77, %select_n3A_93, %dma_wait3A_538] : memref<25x8x128xi32, #tpu.memory_space<vmem>> -> memref<1x1x128xi32, #tpu.memory_space<vmem>>
      %dma_wait3A_540 = tpu.memref_squeeze %dma_wait3A_539 : memref<1x1x128xi32, #tpu.memory_space<vmem>> -> memref<128xi32, #tpu.memory_space<vmem>>
      %dma_wait3A_541 = arith.constant 0 : i32
      %dma_wait3A_542 = arith.constant 0 : i32
      %dma_wait3A_543 = tpu.memref_slice %arg2[%dma_wait3A_541, %dma_wait3A_542] : memref<1000000x32xf32, #tpu.memory_space<hbm>> -> memref<1000000x32xf32, #tpu.memory_space<hbm>>
      tpu.wait_indirect_dma semaphore(%arg7 : memref<!tpu.dma_semaphore, #tpu.memory_space<semaphore_mem>>) src(%dma_wait3A_543 : memref<1000000x32xf32, #tpu.memory_space<hbm>>) dst(%dma_wait3A_537 : memref<128x32xf32, #tpu.memory_space<vmem>>)
      %dma_wait3A_544 = arith.constant 256 : i32
      %dma_wait3A_545 = arith.constant 0 : i32
      %dma_wait3A_546 = tpu.memref_slice %arg6[%dma_wait3A_544, %dma_wait3A_545] : memref<1280x32xf32, #tpu.memory_space<vmem>> -> memref<128x32xf32, #tpu.memory_space<vmem>>
      %dma_wait3A_547 = arith.constant 0 : i32
      %dma_wait3A_548 = tpu.memref_slice %arg5[%select_n3A_130, %select_n3A_146, %dma_wait3A_547] : memref<25x8x128xi32, #tpu.memory_space<vmem>> -> memref<1x1x128xi32, #tpu.memory_space<vmem>>
      %dma_wait3A_549 = tpu.memref_squeeze %dma_wait3A_548 : memref<1x1x128xi32, #tpu.memory_space<vmem>> -> memref<128xi32, #tpu.memory_space<vmem>>
      %dma_wait3A_550 = arith.constant 0 : i32
      %dma_wait3A_551 = arith.constant 0 : i32
      %dma_wait3A_552 = tpu.memref_slice %arg2[%dma_wait3A_550, %dma_wait3A_551] : memref<1000000x32xf32, #tpu.memory_space<hbm>> -> memref<1000000x32xf32, #tpu.memory_space<hbm>>
      tpu.wait_indirect_dma semaphore(%arg7 : memref<!tpu.dma_semaphore, #tpu.memory_space<semaphore_mem>>) src(%dma_wait3A_552 : memref<1000000x32xf32, #tpu.memory_space<hbm>>) dst(%dma_wait3A_546 : memref<128x32xf32, #tpu.memory_space<vmem>>)
      %dma_wait3A_553 = arith.constant 384 : i32
      %dma_wait3A_554 = arith.constant 0 : i32
      %dma_wait3A_555 = tpu.memref_slice %arg6[%dma_wait3A_553, %dma_wait3A_554] : memref<1280x32xf32, #tpu.memory_space<vmem>> -> memref<128x32xf32, #tpu.memory_space<vmem>>
      %dma_wait3A_556 = arith.constant 0 : i32
      %dma_wait3A_557 = tpu.memref_slice %arg5[%select_n3A_183, %select_n3A_199, %dma_wait3A_556] : memref<25x8x128xi32, #tpu.memory_space<vmem>> -> memref<1x1x128xi32, #tpu.memory_space<vmem>>
      %dma_wait3A_558 = tpu.memref_squeeze %dma_wait3A_557 : memref<1x1x128xi32, #tpu.memory_space<vmem>> -> memref<128xi32, #tpu.memory_space<vmem>>
      %dma_wait3A_559 = arith.constant 0 : i32
      %dma_wait3A_560 = arith.constant 0 : i32
      %dma_wait3A_561 = tpu.memref_slice %arg2[%dma_wait3A_559, %dma_wait3A_560] : memref<1000000x32xf32, #tpu.memory_space<hbm>> -> memref<1000000x32xf32, #tpu.memory_space<hbm>>
      tpu.wait_indirect_dma semaphore(%arg7 : memref<!tpu.dma_semaphore, #tpu.memory_space<semaphore_mem>>) src(%dma_wait3A_561 : memref<1000000x32xf32, #tpu.memory_space<hbm>>) dst(%dma_wait3A_555 : memref<128x32xf32, #tpu.memory_space<vmem>>)
      %dma_wait3A_562 = arith.constant 512 : i32
      %dma_wait3A_563 = arith.constant 0 : i32
      %dma_wait3A_564 = tpu.memref_slice %arg6[%dma_wait3A_562, %dma_wait3A_563] : memref<1280x32xf32, #tpu.memory_space<vmem>> -> memref<128x32xf32, #tpu.memory_space<vmem>>
      %dma_wait3A_565 = arith.constant 0 : i32
      %dma_wait3A_566 = tpu.memref_slice %arg5[%select_n3A_236, %select_n3A_252, %dma_wait3A_565] : memref<25x8x128xi32, #tpu.memory_space<vmem>> -> memref<1x1x128xi32, #tpu.memory_space<vmem>>
      %dma_wait3A_567 = tpu.memref_squeeze %dma_wait3A_566 : memref<1x1x128xi32, #tpu.memory_space<vmem>> -> memref<128xi32, #tpu.memory_space<vmem>>
      %dma_wait3A_568 = arith.constant 0 : i32
      %dma_wait3A_569 = arith.constant 0 : i32
      %dma_wait3A_570 = tpu.memref_slice %arg2[%dma_wait3A_568, %dma_wait3A_569] : memref<1000000x32xf32, #tpu.memory_space<hbm>> -> memref<1000000x32xf32, #tpu.memory_space<hbm>>
      tpu.wait_indirect_dma semaphore(%arg7 : memref<!tpu.dma_semaphore, #tpu.memory_space<semaphore_mem>>) src(%dma_wait3A_570 : memref<1000000x32xf32, #tpu.memory_space<hbm>>) dst(%dma_wait3A_564 : memref<128x32xf32, #tpu.memory_space<vmem>>)
      %dma_wait3A_571 = arith.constant 640 : i32
      %dma_wait3A_572 = arith.constant 0 : i32
      %dma_wait3A_573 = tpu.memref_slice %arg6[%dma_wait3A_571, %dma_wait3A_572] : memref<1280x32xf32, #tpu.memory_space<vmem>> -> memref<128x32xf32, #tpu.memory_space<vmem>>
      %dma_wait3A_574 = arith.constant 0 : i32
      %dma_wait3A_575 = tpu.memref_slice %arg5[%select_n3A_289, %select_n3A_305, %dma_wait3A_574] : memref<25x8x128xi32, #tpu.memory_space<vmem>> -> memref<1x1x128xi32, #tpu.memory_space<vmem>>
      %dma_wait3A_576 = tpu.memref_squeeze %dma_wait3A_575 : memref<1x1x128xi32, #tpu.memory_space<vmem>> -> memref<128xi32, #tpu.memory_space<vmem>>
      %dma_wait3A_577 = arith.constant 0 : i32
      %dma_wait3A_578 = arith.constant 0 : i32
      %dma_wait3A_579 = tpu.memref_slice %arg2[%dma_wait3A_577, %dma_wait3A_578] : memref<1000000x32xf32, #tpu.memory_space<hbm>> -> memref<1000000x32xf32, #tpu.memory_space<hbm>>
      tpu.wait_indirect_dma semaphore(%arg7 : memref<!tpu.dma_semaphore, #tpu.memory_space<semaphore_mem>>) src(%dma_wait3A_579 : memref<1000000x32xf32, #tpu.memory_space<hbm>>) dst(%dma_wait3A_573 : memref<128x32xf32, #tpu.memory_space<vmem>>)
      %dma_wait3A_580 = arith.constant 768 : i32
      %dma_wait3A_581 = arith.constant 0 : i32
      %dma_wait3A_582 = tpu.memref_slice %arg6[%dma_wait3A_580, %dma_wait3A_581] : memref<1280x32xf32, #tpu.memory_space<vmem>> -> memref<128x32xf32, #tpu.memory_space<vmem>>
      %dma_wait3A_583 = arith.constant 0 : i32
      %dma_wait3A_584 = tpu.memref_slice %arg5[%select_n3A_342, %select_n3A_358, %dma_wait3A_583] : memref<25x8x128xi32, #tpu.memory_space<vmem>> -> memref<1x1x128xi32, #tpu.memory_space<vmem>>
      %dma_wait3A_585 = tpu.memref_squeeze %dma_wait3A_584 : memref<1x1x128xi32, #tpu.memory_space<vmem>> -> memref<128xi32, #tpu.memory_space<vmem>>
      %dma_wait3A_586 = arith.constant 0 : i32
      %dma_wait3A_587 = arith.constant 0 : i32
      %dma_wait3A_588 = tpu.memref_slice %arg2[%dma_wait3A_586, %dma_wait3A_587] : memref<1000000x32xf32, #tpu.memory_space<hbm>> -> memref<1000000x32xf32, #tpu.memory_space<hbm>>
      tpu.wait_indirect_dma semaphore(%arg7 : memref<!tpu.dma_semaphore, #tpu.memory_space<semaphore_mem>>) src(%dma_wait3A_588 : memref<1000000x32xf32, #tpu.memory_space<hbm>>) dst(%dma_wait3A_582 : memref<128x32xf32, #tpu.memory_space<vmem>>)
      %dma_wait3A_589 = arith.constant 896 : i32
      %dma_wait3A_590 = arith.constant 0 : i32
      %dma_wait3A_591 = tpu.memref_slice %arg6[%dma_wait3A_589, %dma_wait3A_590] : memref<1280x32xf32, #tpu.memory_space<vmem>> -> memref<128x32xf32, #tpu.memory_space<vmem>>
      %dma_wait3A_592 = arith.constant 0 : i32
      %dma_wait3A_593 = tpu.memref_slice %arg5[%select_n3A_395, %select_n3A_411, %dma_wait3A_592] : memref<25x8x128xi32, #tpu.memory_space<vmem>> -> memref<1x1x128xi32, #tpu.memory_space<vmem>>
      %dma_wait3A_594 = tpu.memref_squeeze %dma_wait3A_593 : memref<1x1x128xi32, #tpu.memory_space<vmem>> -> memref<128xi32, #tpu.memory_space<vmem>>
      %dma_wait3A_595 = arith.constant 0 : i32
      %dma_wait3A_596 = arith.constant 0 : i32
      %dma_wait3A_597 = tpu.memref_slice %arg2[%dma_wait3A_595, %dma_wait3A_596] : memref<1000000x32xf32, #tpu.memory_space<hbm>> -> memref<1000000x32xf32, #tpu.memory_space<hbm>>
      tpu.wait_indirect_dma semaphore(%arg7 : memref<!tpu.dma_semaphore, #tpu.memory_space<semaphore_mem>>) src(%dma_wait3A_597 : memref<1000000x32xf32, #tpu.memory_space<hbm>>) dst(%dma_wait3A_591 : memref<128x32xf32, #tpu.memory_space<vmem>>)
      %dma_wait3A_598 = arith.constant 1024 : i32
      %dma_wait3A_599 = arith.constant 0 : i32
      %dma_wait3A_600 = tpu.memref_slice %arg6[%dma_wait3A_598, %dma_wait3A_599] : memref<1280x32xf32, #tpu.memory_space<vmem>> -> memref<128x32xf32, #tpu.memory_space<vmem>>
      %dma_wait3A_601 = arith.constant 0 : i32
      %dma_wait3A_602 = tpu.memref_slice %arg5[%select_n3A_448, %select_n3A_464, %dma_wait3A_601] : memref<25x8x128xi32, #tpu.memory_space<vmem>> -> memref<1x1x128xi32, #tpu.memory_space<vmem>>
      %dma_wait3A_603 = tpu.memref_squeeze %dma_wait3A_602 : memref<1x1x128xi32, #tpu.memory_space<vmem>> -> memref<128xi32, #tpu.memory_space<vmem>>
      %dma_wait3A_604 = arith.constant 0 : i32
      %dma_wait3A_605 = arith.constant 0 : i32
      %dma_wait3A_606 = tpu.memref_slice %arg2[%dma_wait3A_604, %dma_wait3A_605] : memref<1000000x32xf32, #tpu.memory_space<hbm>> -> memref<1000000x32xf32, #tpu.memory_space<hbm>>
      tpu.wait_indirect_dma semaphore(%arg7 : memref<!tpu.dma_semaphore, #tpu.memory_space<semaphore_mem>>) src(%dma_wait3A_606 : memref<1000000x32xf32, #tpu.memory_space<hbm>>) dst(%dma_wait3A_600 : memref<128x32xf32, #tpu.memory_space<vmem>>)
      %dma_wait3A_607 = arith.constant 1152 : i32
      %dma_wait3A_608 = arith.constant 0 : i32
      %dma_wait3A_609 = tpu.memref_slice %arg6[%dma_wait3A_607, %dma_wait3A_608] : memref<1280x32xf32, #tpu.memory_space<vmem>> -> memref<128x32xf32, #tpu.memory_space<vmem>>
      %dma_wait3A_610 = arith.constant 0 : i32
      %dma_wait3A_611 = tpu.memref_slice %arg5[%select_n3A_501, %select_n3A_517, %dma_wait3A_610] : memref<25x8x128xi32, #tpu.memory_space<vmem>> -> memref<1x1x128xi32, #tpu.memory_space<vmem>>
      %dma_wait3A_612 = tpu.memref_squeeze %dma_wait3A_611 : memref<1x1x128xi32, #tpu.memory_space<vmem>> -> memref<128xi32, #tpu.memory_space<vmem>>
      %dma_wait3A_613 = arith.constant 0 : i32
      %dma_wait3A_614 = arith.constant 0 : i32
      %dma_wait3A_615 = tpu.memref_slice %arg2[%dma_wait3A_613, %dma_wait3A_614] : memref<1000000x32xf32, #tpu.memory_space<hbm>> -> memref<1000000x32xf32, #tpu.memory_space<hbm>>
      tpu.wait_indirect_dma semaphore(%arg7 : memref<!tpu.dma_semaphore, #tpu.memory_space<semaphore_mem>>) src(%dma_wait3A_615 : memref<1000000x32xf32, #tpu.memory_space<hbm>>) dst(%dma_wait3A_609 : memref<128x32xf32, #tpu.memory_space<vmem>>)
      %mul3A_616 = arith.constant 10 : i32
      %mul3A_617 = arith.muli %scan3A_7, %mul3A_616 : i32
      %add3A_618 = arith.constant 0 : i32
      %add3A_619 = arith.addi %mul3A_617, %add3A_618 : i32
      "tpu.region"() ({
        %run_scoped3A = tpu.sem_alloc : memref<!tpu.dma_semaphore, #tpu.memory_space<semaphore_mem>>
        %dma_start3A_656 = arith.constant 0 : i32
        %dma_start3A_657 = arith.constant 0 : i32
        %dma_start3A_658 = tpu.memref_slice %arg6[%dma_start3A_656, %dma_start3A_657] : memref<1280x32xf32, #tpu.memory_space<vmem>> -> memref<128x32xf32, #tpu.memory_space<vmem>>
        %dma_start3A_659 = arith.constant 0 : i32
        %dma_start3A_660 = tpu.memref_slice %arg4[%add3A_619, %mul3A_2, %dma_start3A_659] : memref<200x4096x32xf32, #tpu.memory_space<hbm>> -> memref<1x128x32xf32, #tpu.memory_space<hbm>>
        %dma_start3A_661 = tpu.memref_squeeze %dma_start3A_660 : memref<1x128x32xf32, #tpu.memory_space<hbm>> -> memref<128x32xf32, #tpu.memory_space<hbm>>
        %dma_start3A_662 = arith.constant 0 : i32
        %dma_start3A_663 = tpu.memref_slice %arg4[%add3A_619, %mul3A_2, %dma_start3A_662] : memref<200x4096x32xf32, #tpu.memory_space<hbm>> -> memref<1x128x32xf32, #tpu.memory_space<hbm>>
        %dma_start3A_664 = tpu.memref_squeeze %dma_start3A_663 : memref<1x128x32xf32, #tpu.memory_space<hbm>> -> memref<128x32xf32, #tpu.memory_space<hbm>>
        %dma_start3A_665 = arith.constant 0 : i32
        %dma_start3A_666 = arith.constant 0 : i32
        %dma_start3A_667 = tpu.memref_slice %arg6[%dma_start3A_665, %dma_start3A_666] : memref<1280x32xf32, #tpu.memory_space<vmem>> -> memref<128x32xf32, #tpu.memory_space<vmem>>
        tpu.enqueue_dma source(%dma_start3A_667 : memref<128x32xf32, #tpu.memory_space<vmem>>) target(%dma_start3A_664 : memref<128x32xf32, #tpu.memory_space<hbm>>) target_semaphore(%run_scoped3A : memref<!tpu.dma_semaphore, #tpu.memory_space<semaphore_mem>>)
        %dma_wait3A_668 = arith.constant 0 : i32
        %dma_wait3A_669 = arith.constant 0 : i32
        %dma_wait3A_670 = tpu.memref_slice %arg6[%dma_wait3A_668, %dma_wait3A_669] : memref<1280x32xf32, #tpu.memory_space<vmem>> -> memref<128x32xf32, #tpu.memory_space<vmem>>
        %dma_wait3A_671 = arith.constant 0 : i32
        %dma_wait3A_672 = tpu.memref_slice %arg4[%add3A_619, %mul3A_2, %dma_wait3A_671] : memref<200x4096x32xf32, #tpu.memory_space<hbm>> -> memref<1x128x32xf32, #tpu.memory_space<hbm>>
        %dma_wait3A_673 = tpu.memref_squeeze %dma_wait3A_672 : memref<1x128x32xf32, #tpu.memory_space<hbm>> -> memref<128x32xf32, #tpu.memory_space<hbm>>
        %dma_wait3A_674 = arith.constant 0 : i32
        %dma_wait3A_675 = tpu.memref_slice %arg4[%add3A_619, %mul3A_2, %dma_wait3A_674] : memref<200x4096x32xf32, #tpu.memory_space<hbm>> -> memref<1x128x32xf32, #tpu.memory_space<hbm>>
        %dma_wait3A_676 = tpu.memref_squeeze %dma_wait3A_675 : memref<1x128x32xf32, #tpu.memory_space<hbm>> -> memref<128x32xf32, #tpu.memory_space<hbm>>
        %dma_wait3A_677 = arith.constant 0 : i32
        %dma_wait3A_678 = arith.constant 0 : i32
        %dma_wait3A_679 = tpu.memref_slice %arg6[%dma_wait3A_677, %dma_wait3A_678] : memref<1280x32xf32, #tpu.memory_space<vmem>> -> memref<128x32xf32, #tpu.memory_space<vmem>>
        tpu.wait_dma2 semaphore(%run_scoped3A : memref<!tpu.dma_semaphore, #tpu.memory_space<semaphore_mem>>) src(%dma_wait3A_679 : memref<128x32xf32, #tpu.memory_space<vmem>>) dst(%dma_wait3A_676 : memref<128x32xf32, #tpu.memory_space<hbm>>)
        tpu.yield
      }) : () -> ()
      %mul3A_620 = arith.constant 10 : i32
      %mul3A_621 = arith.muli %scan3A_7, %mul3A_620 : i32
      %add3A_622 = arith.constant 1 : i32
      %add3A_623 = arith.addi %mul3A_621, %add3A_622 : i32
      "tpu.region"() ({
        %run_scoped3A = tpu.sem_alloc : memref<!tpu.dma_semaphore, #tpu.memory_space<semaphore_mem>>
        %dma_start3A_656 = arith.constant 128 : i32
        %dma_start3A_657 = arith.constant 0 : i32
        %dma_start3A_658 = tpu.memref_slice %arg6[%dma_start3A_656, %dma_start3A_657] : memref<1280x32xf32, #tpu.memory_space<vmem>> -> memref<128x32xf32, #tpu.memory_space<vmem>>
        %dma_start3A_659 = arith.constant 0 : i32
        %dma_start3A_660 = tpu.memref_slice %arg4[%add3A_623, %mul3A_2, %dma_start3A_659] : memref<200x4096x32xf32, #tpu.memory_space<hbm>> -> memref<1x128x32xf32, #tpu.memory_space<hbm>>
        %dma_start3A_661 = tpu.memref_squeeze %dma_start3A_660 : memref<1x128x32xf32, #tpu.memory_space<hbm>> -> memref<128x32xf32, #tpu.memory_space<hbm>>
        %dma_start3A_662 = arith.constant 0 : i32
        %dma_start3A_663 = tpu.memref_slice %arg4[%add3A_623, %mul3A_2, %dma_start3A_662] : memref<200x4096x32xf32, #tpu.memory_space<hbm>> -> memref<1x128x32xf32, #tpu.memory_space<hbm>>
        %dma_start3A_664 = tpu.memref_squeeze %dma_start3A_663 : memref<1x128x32xf32, #tpu.memory_space<hbm>> -> memref<128x32xf32, #tpu.memory_space<hbm>>
        %dma_start3A_665 = arith.constant 128 : i32
        %dma_start3A_666 = arith.constant 0 : i32
        %dma_start3A_667 = tpu.memref_slice %arg6[%dma_start3A_665, %dma_start3A_666] : memref<1280x32xf32, #tpu.memory_space<vmem>> -> memref<128x32xf32, #tpu.memory_space<vmem>>
        tpu.enqueue_dma source(%dma_start3A_667 : memref<128x32xf32, #tpu.memory_space<vmem>>) target(%dma_start3A_664 : memref<128x32xf32, #tpu.memory_space<hbm>>) target_semaphore(%run_scoped3A : memref<!tpu.dma_semaphore, #tpu.memory_space<semaphore_mem>>)
        %dma_wait3A_668 = arith.constant 128 : i32
        %dma_wait3A_669 = arith.constant 0 : i32
        %dma_wait3A_670 = tpu.memref_slice %arg6[%dma_wait3A_668, %dma_wait3A_669] : memref<1280x32xf32, #tpu.memory_space<vmem>> -> memref<128x32xf32, #tpu.memory_space<vmem>>
        %dma_wait3A_671 = arith.constant 0 : i32
        %dma_wait3A_672 = tpu.memref_slice %arg4[%add3A_623, %mul3A_2, %dma_wait3A_671] : memref<200x4096x32xf32, #tpu.memory_space<hbm>> -> memref<1x128x32xf32, #tpu.memory_space<hbm>>
        %dma_wait3A_673 = tpu.memref_squeeze %dma_wait3A_672 : memref<1x128x32xf32, #tpu.memory_space<hbm>> -> memref<128x32xf32, #tpu.memory_space<hbm>>
        %dma_wait3A_674 = arith.constant 0 : i32
        %dma_wait3A_675 = tpu.memref_slice %arg4[%add3A_623, %mul3A_2, %dma_wait3A_674] : memref<200x4096x32xf32, #tpu.memory_space<hbm>> -> memref<1x128x32xf32, #tpu.memory_space<hbm>>
        %dma_wait3A_676 = tpu.memref_squeeze %dma_wait3A_675 : memref<1x128x32xf32, #tpu.memory_space<hbm>> -> memref<128x32xf32, #tpu.memory_space<hbm>>
        %dma_wait3A_677 = arith.constant 128 : i32
        %dma_wait3A_678 = arith.constant 0 : i32
        %dma_wait3A_679 = tpu.memref_slice %arg6[%dma_wait3A_677, %dma_wait3A_678] : memref<1280x32xf32, #tpu.memory_space<vmem>> -> memref<128x32xf32, #tpu.memory_space<vmem>>
        tpu.wait_dma2 semaphore(%run_scoped3A : memref<!tpu.dma_semaphore, #tpu.memory_space<semaphore_mem>>) src(%dma_wait3A_679 : memref<128x32xf32, #tpu.memory_space<vmem>>) dst(%dma_wait3A_676 : memref<128x32xf32, #tpu.memory_space<hbm>>)
        tpu.yield
      }) : () -> ()
      %mul3A_624 = arith.constant 10 : i32
      %mul3A_625 = arith.muli %scan3A_7, %mul3A_624 : i32
      %add3A_626 = arith.constant 2 : i32
      %add3A_627 = arith.addi %mul3A_625, %add3A_626 : i32
      "tpu.region"() ({
        %run_scoped3A = tpu.sem_alloc : memref<!tpu.dma_semaphore, #tpu.memory_space<semaphore_mem>>
        %dma_start3A_656 = arith.constant 256 : i32
        %dma_start3A_657 = arith.constant 0 : i32
        %dma_start3A_658 = tpu.memref_slice %arg6[%dma_start3A_656, %dma_start3A_657] : memref<1280x32xf32, #tpu.memory_space<vmem>> -> memref<128x32xf32, #tpu.memory_space<vmem>>
        %dma_start3A_659 = arith.constant 0 : i32
        %dma_start3A_660 = tpu.memref_slice %arg4[%add3A_627, %mul3A_2, %dma_start3A_659] : memref<200x4096x32xf32, #tpu.memory_space<hbm>> -> memref<1x128x32xf32, #tpu.memory_space<hbm>>
        %dma_start3A_661 = tpu.memref_squeeze %dma_start3A_660 : memref<1x128x32xf32, #tpu.memory_space<hbm>> -> memref<128x32xf32, #tpu.memory_space<hbm>>
        %dma_start3A_662 = arith.constant 0 : i32
        %dma_start3A_663 = tpu.memref_slice %arg4[%add3A_627, %mul3A_2, %dma_start3A_662] : memref<200x4096x32xf32, #tpu.memory_space<hbm>> -> memref<1x128x32xf32, #tpu.memory_space<hbm>>
        %dma_start3A_664 = tpu.memref_squeeze %dma_start3A_663 : memref<1x128x32xf32, #tpu.memory_space<hbm>> -> memref<128x32xf32, #tpu.memory_space<hbm>>
        %dma_start3A_665 = arith.constant 256 : i32
        %dma_start3A_666 = arith.constant 0 : i32
        %dma_start3A_667 = tpu.memref_slice %arg6[%dma_start3A_665, %dma_start3A_666] : memref<1280x32xf32, #tpu.memory_space<vmem>> -> memref<128x32xf32, #tpu.memory_space<vmem>>
        tpu.enqueue_dma source(%dma_start3A_667 : memref<128x32xf32, #tpu.memory_space<vmem>>) target(%dma_start3A_664 : memref<128x32xf32, #tpu.memory_space<hbm>>) target_semaphore(%run_scoped3A : memref<!tpu.dma_semaphore, #tpu.memory_space<semaphore_mem>>)
        %dma_wait3A_668 = arith.constant 256 : i32
        %dma_wait3A_669 = arith.constant 0 : i32
        %dma_wait3A_670 = tpu.memref_slice %arg6[%dma_wait3A_668, %dma_wait3A_669] : memref<1280x32xf32, #tpu.memory_space<vmem>> -> memref<128x32xf32, #tpu.memory_space<vmem>>
        %dma_wait3A_671 = arith.constant 0 : i32
        %dma_wait3A_672 = tpu.memref_slice %arg4[%add3A_627, %mul3A_2, %dma_wait3A_671] : memref<200x4096x32xf32, #tpu.memory_space<hbm>> -> memref<1x128x32xf32, #tpu.memory_space<hbm>>
        %dma_wait3A_673 = tpu.memref_squeeze %dma_wait3A_672 : memref<1x128x32xf32, #tpu.memory_space<hbm>> -> memref<128x32xf32, #tpu.memory_space<hbm>>
        %dma_wait3A_674 = arith.constant 0 : i32
        %dma_wait3A_675 = tpu.memref_slice %arg4[%add3A_627, %mul3A_2, %dma_wait3A_674] : memref<200x4096x32xf32, #tpu.memory_space<hbm>> -> memref<1x128x32xf32, #tpu.memory_space<hbm>>
        %dma_wait3A_676 = tpu.memref_squeeze %dma_wait3A_675 : memref<1x128x32xf32, #tpu.memory_space<hbm>> -> memref<128x32xf32, #tpu.memory_space<hbm>>
        %dma_wait3A_677 = arith.constant 256 : i32
        %dma_wait3A_678 = arith.constant 0 : i32
        %dma_wait3A_679 = tpu.memref_slice %arg6[%dma_wait3A_677, %dma_wait3A_678] : memref<1280x32xf32, #tpu.memory_space<vmem>> -> memref<128x32xf32, #tpu.memory_space<vmem>>
        tpu.wait_dma2 semaphore(%run_scoped3A : memref<!tpu.dma_semaphore, #tpu.memory_space<semaphore_mem>>) src(%dma_wait3A_679 : memref<128x32xf32, #tpu.memory_space<vmem>>) dst(%dma_wait3A_676 : memref<128x32xf32, #tpu.memory_space<hbm>>)
        tpu.yield
      }) : () -> ()
      %mul3A_628 = arith.constant 10 : i32
      %mul3A_629 = arith.muli %scan3A_7, %mul3A_628 : i32
      %add3A_630 = arith.constant 3 : i32
      %add3A_631 = arith.addi %mul3A_629, %add3A_630 : i32
      "tpu.region"() ({
        %run_scoped3A = tpu.sem_alloc : memref<!tpu.dma_semaphore, #tpu.memory_space<semaphore_mem>>
        %dma_start3A_656 = arith.constant 384 : i32
        %dma_start3A_657 = arith.constant 0 : i32
        %dma_start3A_658 = tpu.memref_slice %arg6[%dma_start3A_656, %dma_start3A_657] : memref<1280x32xf32, #tpu.memory_space<vmem>> -> memref<128x32xf32, #tpu.memory_space<vmem>>
        %dma_start3A_659 = arith.constant 0 : i32
        %dma_start3A_660 = tpu.memref_slice %arg4[%add3A_631, %mul3A_2, %dma_start3A_659] : memref<200x4096x32xf32, #tpu.memory_space<hbm>> -> memref<1x128x32xf32, #tpu.memory_space<hbm>>
        %dma_start3A_661 = tpu.memref_squeeze %dma_start3A_660 : memref<1x128x32xf32, #tpu.memory_space<hbm>> -> memref<128x32xf32, #tpu.memory_space<hbm>>
        %dma_start3A_662 = arith.constant 0 : i32
        %dma_start3A_663 = tpu.memref_slice %arg4[%add3A_631, %mul3A_2, %dma_start3A_662] : memref<200x4096x32xf32, #tpu.memory_space<hbm>> -> memref<1x128x32xf32, #tpu.memory_space<hbm>>
        %dma_start3A_664 = tpu.memref_squeeze %dma_start3A_663 : memref<1x128x32xf32, #tpu.memory_space<hbm>> -> memref<128x32xf32, #tpu.memory_space<hbm>>
        %dma_start3A_665 = arith.constant 384 : i32
        %dma_start3A_666 = arith.constant 0 : i32
        %dma_start3A_667 = tpu.memref_slice %arg6[%dma_start3A_665, %dma_start3A_666] : memref<1280x32xf32, #tpu.memory_space<vmem>> -> memref<128x32xf32, #tpu.memory_space<vmem>>
        tpu.enqueue_dma source(%dma_start3A_667 : memref<128x32xf32, #tpu.memory_space<vmem>>) target(%dma_start3A_664 : memref<128x32xf32, #tpu.memory_space<hbm>>) target_semaphore(%run_scoped3A : memref<!tpu.dma_semaphore, #tpu.memory_space<semaphore_mem>>)
        %dma_wait3A_668 = arith.constant 384 : i32
        %dma_wait3A_669 = arith.constant 0 : i32
        %dma_wait3A_670 = tpu.memref_slice %arg6[%dma_wait3A_668, %dma_wait3A_669] : memref<1280x32xf32, #tpu.memory_space<vmem>> -> memref<128x32xf32, #tpu.memory_space<vmem>>
        %dma_wait3A_671 = arith.constant 0 : i32
        %dma_wait3A_672 = tpu.memref_slice %arg4[%add3A_631, %mul3A_2, %dma_wait3A_671] : memref<200x4096x32xf32, #tpu.memory_space<hbm>> -> memref<1x128x32xf32, #tpu.memory_space<hbm>>
        %dma_wait3A_673 = tpu.memref_squeeze %dma_wait3A_672 : memref<1x128x32xf32, #tpu.memory_space<hbm>> -> memref<128x32xf32, #tpu.memory_space<hbm>>
        %dma_wait3A_674 = arith.constant 0 : i32
        %dma_wait3A_675 = tpu.memref_slice %arg4[%add3A_631, %mul3A_2, %dma_wait3A_674] : memref<200x4096x32xf32, #tpu.memory_space<hbm>> -> memref<1x128x32xf32, #tpu.memory_space<hbm>>
        %dma_wait3A_676 = tpu.memref_squeeze %dma_wait3A_675 : memref<1x128x32xf32, #tpu.memory_space<hbm>> -> memref<128x32xf32, #tpu.memory_space<hbm>>
        %dma_wait3A_677 = arith.constant 384 : i32
        %dma_wait3A_678 = arith.constant 0 : i32
        %dma_wait3A_679 = tpu.memref_slice %arg6[%dma_wait3A_677, %dma_wait3A_678] : memref<1280x32xf32, #tpu.memory_space<vmem>> -> memref<128x32xf32, #tpu.memory_space<vmem>>
        tpu.wait_dma2 semaphore(%run_scoped3A : memref<!tpu.dma_semaphore, #tpu.memory_space<semaphore_mem>>) src(%dma_wait3A_679 : memref<128x32xf32, #tpu.memory_space<vmem>>) dst(%dma_wait3A_676 : memref<128x32xf32, #tpu.memory_space<hbm>>)
        tpu.yield
      }) : () -> ()
      %mul3A_632 = arith.constant 10 : i32
      %mul3A_633 = arith.muli %scan3A_7, %mul3A_632 : i32
      %add3A_634 = arith.constant 4 : i32
      %add3A_635 = arith.addi %mul3A_633, %add3A_634 : i32
      "tpu.region"() ({
        %run_scoped3A = tpu.sem_alloc : memref<!tpu.dma_semaphore, #tpu.memory_space<semaphore_mem>>
        %dma_start3A_656 = arith.constant 512 : i32
        %dma_start3A_657 = arith.constant 0 : i32
        %dma_start3A_658 = tpu.memref_slice %arg6[%dma_start3A_656, %dma_start3A_657] : memref<1280x32xf32, #tpu.memory_space<vmem>> -> memref<128x32xf32, #tpu.memory_space<vmem>>
        %dma_start3A_659 = arith.constant 0 : i32
        %dma_start3A_660 = tpu.memref_slice %arg4[%add3A_635, %mul3A_2, %dma_start3A_659] : memref<200x4096x32xf32, #tpu.memory_space<hbm>> -> memref<1x128x32xf32, #tpu.memory_space<hbm>>
        %dma_start3A_661 = tpu.memref_squeeze %dma_start3A_660 : memref<1x128x32xf32, #tpu.memory_space<hbm>> -> memref<128x32xf32, #tpu.memory_space<hbm>>
        %dma_start3A_662 = arith.constant 0 : i32
        %dma_start3A_663 = tpu.memref_slice %arg4[%add3A_635, %mul3A_2, %dma_start3A_662] : memref<200x4096x32xf32, #tpu.memory_space<hbm>> -> memref<1x128x32xf32, #tpu.memory_space<hbm>>
        %dma_start3A_664 = tpu.memref_squeeze %dma_start3A_663 : memref<1x128x32xf32, #tpu.memory_space<hbm>> -> memref<128x32xf32, #tpu.memory_space<hbm>>
        %dma_start3A_665 = arith.constant 512 : i32
        %dma_start3A_666 = arith.constant 0 : i32
        %dma_start3A_667 = tpu.memref_slice %arg6[%dma_start3A_665, %dma_start3A_666] : memref<1280x32xf32, #tpu.memory_space<vmem>> -> memref<128x32xf32, #tpu.memory_space<vmem>>
        tpu.enqueue_dma source(%dma_start3A_667 : memref<128x32xf32, #tpu.memory_space<vmem>>) target(%dma_start3A_664 : memref<128x32xf32, #tpu.memory_space<hbm>>) target_semaphore(%run_scoped3A : memref<!tpu.dma_semaphore, #tpu.memory_space<semaphore_mem>>)
        %dma_wait3A_668 = arith.constant 512 : i32
        %dma_wait3A_669 = arith.constant 0 : i32
        %dma_wait3A_670 = tpu.memref_slice %arg6[%dma_wait3A_668, %dma_wait3A_669] : memref<1280x32xf32, #tpu.memory_space<vmem>> -> memref<128x32xf32, #tpu.memory_space<vmem>>
        %dma_wait3A_671 = arith.constant 0 : i32
        %dma_wait3A_672 = tpu.memref_slice %arg4[%add3A_635, %mul3A_2, %dma_wait3A_671] : memref<200x4096x32xf32, #tpu.memory_space<hbm>> -> memref<1x128x32xf32, #tpu.memory_space<hbm>>
        %dma_wait3A_673 = tpu.memref_squeeze %dma_wait3A_672 : memref<1x128x32xf32, #tpu.memory_space<hbm>> -> memref<128x32xf32, #tpu.memory_space<hbm>>
        %dma_wait3A_674 = arith.constant 0 : i32
        %dma_wait3A_675 = tpu.memref_slice %arg4[%add3A_635, %mul3A_2, %dma_wait3A_674] : memref<200x4096x32xf32, #tpu.memory_space<hbm>> -> memref<1x128x32xf32, #tpu.memory_space<hbm>>
        %dma_wait3A_676 = tpu.memref_squeeze %dma_wait3A_675 : memref<1x128x32xf32, #tpu.memory_space<hbm>> -> memref<128x32xf32, #tpu.memory_space<hbm>>
        %dma_wait3A_677 = arith.constant 512 : i32
        %dma_wait3A_678 = arith.constant 0 : i32
        %dma_wait3A_679 = tpu.memref_slice %arg6[%dma_wait3A_677, %dma_wait3A_678] : memref<1280x32xf32, #tpu.memory_space<vmem>> -> memref<128x32xf32, #tpu.memory_space<vmem>>
        tpu.wait_dma2 semaphore(%run_scoped3A : memref<!tpu.dma_semaphore, #tpu.memory_space<semaphore_mem>>) src(%dma_wait3A_679 : memref<128x32xf32, #tpu.memory_space<vmem>>) dst(%dma_wait3A_676 : memref<128x32xf32, #tpu.memory_space<hbm>>)
        tpu.yield
      }) : () -> ()
      %mul3A_636 = arith.constant 10 : i32
      %mul3A_637 = arith.muli %scan3A_7, %mul3A_636 : i32
      %add3A_638 = arith.constant 5 : i32
      %add3A_639 = arith.addi %mul3A_637, %add3A_638 : i32
      "tpu.region"() ({
        %run_scoped3A = tpu.sem_alloc : memref<!tpu.dma_semaphore, #tpu.memory_space<semaphore_mem>>
        %dma_start3A_656 = arith.constant 640 : i32
        %dma_start3A_657 = arith.constant 0 : i32
        %dma_start3A_658 = tpu.memref_slice %arg6[%dma_start3A_656, %dma_start3A_657] : memref<1280x32xf32, #tpu.memory_space<vmem>> -> memref<128x32xf32, #tpu.memory_space<vmem>>
        %dma_start3A_659 = arith.constant 0 : i32
        %dma_start3A_660 = tpu.memref_slice %arg4[%add3A_639, %mul3A_2, %dma_start3A_659] : memref<200x4096x32xf32, #tpu.memory_space<hbm>> -> memref<1x128x32xf32, #tpu.memory_space<hbm>>
        %dma_start3A_661 = tpu.memref_squeeze %dma_start3A_660 : memref<1x128x32xf32, #tpu.memory_space<hbm>> -> memref<128x32xf32, #tpu.memory_space<hbm>>
        %dma_start3A_662 = arith.constant 0 : i32
        %dma_start3A_663 = tpu.memref_slice %arg4[%add3A_639, %mul3A_2, %dma_start3A_662] : memref<200x4096x32xf32, #tpu.memory_space<hbm>> -> memref<1x128x32xf32, #tpu.memory_space<hbm>>
        %dma_start3A_664 = tpu.memref_squeeze %dma_start3A_663 : memref<1x128x32xf32, #tpu.memory_space<hbm>> -> memref<128x32xf32, #tpu.memory_space<hbm>>
        %dma_start3A_665 = arith.constant 640 : i32
        %dma_start3A_666 = arith.constant 0 : i32
        %dma_start3A_667 = tpu.memref_slice %arg6[%dma_start3A_665, %dma_start3A_666] : memref<1280x32xf32, #tpu.memory_space<vmem>> -> memref<128x32xf32, #tpu.memory_space<vmem>>
        tpu.enqueue_dma source(%dma_start3A_667 : memref<128x32xf32, #tpu.memory_space<vmem>>) target(%dma_start3A_664 : memref<128x32xf32, #tpu.memory_space<hbm>>) target_semaphore(%run_scoped3A : memref<!tpu.dma_semaphore, #tpu.memory_space<semaphore_mem>>)
        %dma_wait3A_668 = arith.constant 640 : i32
        %dma_wait3A_669 = arith.constant 0 : i32
        %dma_wait3A_670 = tpu.memref_slice %arg6[%dma_wait3A_668, %dma_wait3A_669] : memref<1280x32xf32, #tpu.memory_space<vmem>> -> memref<128x32xf32, #tpu.memory_space<vmem>>
        %dma_wait3A_671 = arith.constant 0 : i32
        %dma_wait3A_672 = tpu.memref_slice %arg4[%add3A_639, %mul3A_2, %dma_wait3A_671] : memref<200x4096x32xf32, #tpu.memory_space<hbm>> -> memref<1x128x32xf32, #tpu.memory_space<hbm>>
        %dma_wait3A_673 = tpu.memref_squeeze %dma_wait3A_672 : memref<1x128x32xf32, #tpu.memory_space<hbm>> -> memref<128x32xf32, #tpu.memory_space<hbm>>
        %dma_wait3A_674 = arith.constant 0 : i32
        %dma_wait3A_675 = tpu.memref_slice %arg4[%add3A_639, %mul3A_2, %dma_wait3A_674] : memref<200x4096x32xf32, #tpu.memory_space<hbm>> -> memref<1x128x32xf32, #tpu.memory_space<hbm>>
        %dma_wait3A_676 = tpu.memref_squeeze %dma_wait3A_675 : memref<1x128x32xf32, #tpu.memory_space<hbm>> -> memref<128x32xf32, #tpu.memory_space<hbm>>
        %dma_wait3A_677 = arith.constant 640 : i32
        %dma_wait3A_678 = arith.constant 0 : i32
        %dma_wait3A_679 = tpu.memref_slice %arg6[%dma_wait3A_677, %dma_wait3A_678] : memref<1280x32xf32, #tpu.memory_space<vmem>> -> memref<128x32xf32, #tpu.memory_space<vmem>>
        tpu.wait_dma2 semaphore(%run_scoped3A : memref<!tpu.dma_semaphore, #tpu.memory_space<semaphore_mem>>) src(%dma_wait3A_679 : memref<128x32xf32, #tpu.memory_space<vmem>>) dst(%dma_wait3A_676 : memref<128x32xf32, #tpu.memory_space<hbm>>)
        tpu.yield
      }) : () -> ()
      %mul3A_640 = arith.constant 10 : i32
      %mul3A_641 = arith.muli %scan3A_7, %mul3A_640 : i32
      %add3A_642 = arith.constant 6 : i32
      %add3A_643 = arith.addi %mul3A_641, %add3A_642 : i32
      "tpu.region"() ({
        %run_scoped3A = tpu.sem_alloc : memref<!tpu.dma_semaphore, #tpu.memory_space<semaphore_mem>>
        %dma_start3A_656 = arith.constant 768 : i32
        %dma_start3A_657 = arith.constant 0 : i32
        %dma_start3A_658 = tpu.memref_slice %arg6[%dma_start3A_656, %dma_start3A_657] : memref<1280x32xf32, #tpu.memory_space<vmem>> -> memref<128x32xf32, #tpu.memory_space<vmem>>
        %dma_start3A_659 = arith.constant 0 : i32
        %dma_start3A_660 = tpu.memref_slice %arg4[%add3A_643, %mul3A_2, %dma_start3A_659] : memref<200x4096x32xf32, #tpu.memory_space<hbm>> -> memref<1x128x32xf32, #tpu.memory_space<hbm>>
        %dma_start3A_661 = tpu.memref_squeeze %dma_start3A_660 : memref<1x128x32xf32, #tpu.memory_space<hbm>> -> memref<128x32xf32, #tpu.memory_space<hbm>>
        %dma_start3A_662 = arith.constant 0 : i32
        %dma_start3A_663 = tpu.memref_slice %arg4[%add3A_643, %mul3A_2, %dma_start3A_662] : memref<200x4096x32xf32, #tpu.memory_space<hbm>> -> memref<1x128x32xf32, #tpu.memory_space<hbm>>
        %dma_start3A_664 = tpu.memref_squeeze %dma_start3A_663 : memref<1x128x32xf32, #tpu.memory_space<hbm>> -> memref<128x32xf32, #tpu.memory_space<hbm>>
        %dma_start3A_665 = arith.constant 768 : i32
        %dma_start3A_666 = arith.constant 0 : i32
        %dma_start3A_667 = tpu.memref_slice %arg6[%dma_start3A_665, %dma_start3A_666] : memref<1280x32xf32, #tpu.memory_space<vmem>> -> memref<128x32xf32, #tpu.memory_space<vmem>>
        tpu.enqueue_dma source(%dma_start3A_667 : memref<128x32xf32, #tpu.memory_space<vmem>>) target(%dma_start3A_664 : memref<128x32xf32, #tpu.memory_space<hbm>>) target_semaphore(%run_scoped3A : memref<!tpu.dma_semaphore, #tpu.memory_space<semaphore_mem>>)
        %dma_wait3A_668 = arith.constant 768 : i32
        %dma_wait3A_669 = arith.constant 0 : i32
        %dma_wait3A_670 = tpu.memref_slice %arg6[%dma_wait3A_668, %dma_wait3A_669] : memref<1280x32xf32, #tpu.memory_space<vmem>> -> memref<128x32xf32, #tpu.memory_space<vmem>>
        %dma_wait3A_671 = arith.constant 0 : i32
        %dma_wait3A_672 = tpu.memref_slice %arg4[%add3A_643, %mul3A_2, %dma_wait3A_671] : memref<200x4096x32xf32, #tpu.memory_space<hbm>> -> memref<1x128x32xf32, #tpu.memory_space<hbm>>
        %dma_wait3A_673 = tpu.memref_squeeze %dma_wait3A_672 : memref<1x128x32xf32, #tpu.memory_space<hbm>> -> memref<128x32xf32, #tpu.memory_space<hbm>>
        %dma_wait3A_674 = arith.constant 0 : i32
        %dma_wait3A_675 = tpu.memref_slice %arg4[%add3A_643, %mul3A_2, %dma_wait3A_674] : memref<200x4096x32xf32, #tpu.memory_space<hbm>> -> memref<1x128x32xf32, #tpu.memory_space<hbm>>
        %dma_wait3A_676 = tpu.memref_squeeze %dma_wait3A_675 : memref<1x128x32xf32, #tpu.memory_space<hbm>> -> memref<128x32xf32, #tpu.memory_space<hbm>>
        %dma_wait3A_677 = arith.constant 768 : i32
        %dma_wait3A_678 = arith.constant 0 : i32
        %dma_wait3A_679 = tpu.memref_slice %arg6[%dma_wait3A_677, %dma_wait3A_678] : memref<1280x32xf32, #tpu.memory_space<vmem>> -> memref<128x32xf32, #tpu.memory_space<vmem>>
        tpu.wait_dma2 semaphore(%run_scoped3A : memref<!tpu.dma_semaphore, #tpu.memory_space<semaphore_mem>>) src(%dma_wait3A_679 : memref<128x32xf32, #tpu.memory_space<vmem>>) dst(%dma_wait3A_676 : memref<128x32xf32, #tpu.memory_space<hbm>>)
        tpu.yield
      }) : () -> ()
      %mul3A_644 = arith.constant 10 : i32
      %mul3A_645 = arith.muli %scan3A_7, %mul3A_644 : i32
      %add3A_646 = arith.constant 7 : i32
      %add3A_647 = arith.addi %mul3A_645, %add3A_646 : i32
      "tpu.region"() ({
        %run_scoped3A = tpu.sem_alloc : memref<!tpu.dma_semaphore, #tpu.memory_space<semaphore_mem>>
        %dma_start3A_656 = arith.constant 896 : i32
        %dma_start3A_657 = arith.constant 0 : i32
        %dma_start3A_658 = tpu.memref_slice %arg6[%dma_start3A_656, %dma_start3A_657] : memref<1280x32xf32, #tpu.memory_space<vmem>> -> memref<128x32xf32, #tpu.memory_space<vmem>>
        %dma_start3A_659 = arith.constant 0 : i32
        %dma_start3A_660 = tpu.memref_slice %arg4[%add3A_647, %mul3A_2, %dma_start3A_659] : memref<200x4096x32xf32, #tpu.memory_space<hbm>> -> memref<1x128x32xf32, #tpu.memory_space<hbm>>
        %dma_start3A_661 = tpu.memref_squeeze %dma_start3A_660 : memref<1x128x32xf32, #tpu.memory_space<hbm>> -> memref<128x32xf32, #tpu.memory_space<hbm>>
        %dma_start3A_662 = arith.constant 0 : i32
        %dma_start3A_663 = tpu.memref_slice %arg4[%add3A_647, %mul3A_2, %dma_start3A_662] : memref<200x4096x32xf32, #tpu.memory_space<hbm>> -> memref<1x128x32xf32, #tpu.memory_space<hbm>>
        %dma_start3A_664 = tpu.memref_squeeze %dma_start3A_663 : memref<1x128x32xf32, #tpu.memory_space<hbm>> -> memref<128x32xf32, #tpu.memory_space<hbm>>
        %dma_start3A_665 = arith.constant 896 : i32
        %dma_start3A_666 = arith.constant 0 : i32
        %dma_start3A_667 = tpu.memref_slice %arg6[%dma_start3A_665, %dma_start3A_666] : memref<1280x32xf32, #tpu.memory_space<vmem>> -> memref<128x32xf32, #tpu.memory_space<vmem>>
        tpu.enqueue_dma source(%dma_start3A_667 : memref<128x32xf32, #tpu.memory_space<vmem>>) target(%dma_start3A_664 : memref<128x32xf32, #tpu.memory_space<hbm>>) target_semaphore(%run_scoped3A : memref<!tpu.dma_semaphore, #tpu.memory_space<semaphore_mem>>)
        %dma_wait3A_668 = arith.constant 896 : i32
        %dma_wait3A_669 = arith.constant 0 : i32
        %dma_wait3A_670 = tpu.memref_slice %arg6[%dma_wait3A_668, %dma_wait3A_669] : memref<1280x32xf32, #tpu.memory_space<vmem>> -> memref<128x32xf32, #tpu.memory_space<vmem>>
        %dma_wait3A_671 = arith.constant 0 : i32
        %dma_wait3A_672 = tpu.memref_slice %arg4[%add3A_647, %mul3A_2, %dma_wait3A_671] : memref<200x4096x32xf32, #tpu.memory_space<hbm>> -> memref<1x128x32xf32, #tpu.memory_space<hbm>>
        %dma_wait3A_673 = tpu.memref_squeeze %dma_wait3A_672 : memref<1x128x32xf32, #tpu.memory_space<hbm>> -> memref<128x32xf32, #tpu.memory_space<hbm>>
        %dma_wait3A_674 = arith.constant 0 : i32
        %dma_wait3A_675 = tpu.memref_slice %arg4[%add3A_647, %mul3A_2, %dma_wait3A_674] : memref<200x4096x32xf32, #tpu.memory_space<hbm>> -> memref<1x128x32xf32, #tpu.memory_space<hbm>>
        %dma_wait3A_676 = tpu.memref_squeeze %dma_wait3A_675 : memref<1x128x32xf32, #tpu.memory_space<hbm>> -> memref<128x32xf32, #tpu.memory_space<hbm>>
        %dma_wait3A_677 = arith.constant 896 : i32
        %dma_wait3A_678 = arith.constant 0 : i32
        %dma_wait3A_679 = tpu.memref_slice %arg6[%dma_wait3A_677, %dma_wait3A_678] : memref<1280x32xf32, #tpu.memory_space<vmem>> -> memref<128x32xf32, #tpu.memory_space<vmem>>
        tpu.wait_dma2 semaphore(%run_scoped3A : memref<!tpu.dma_semaphore, #tpu.memory_space<semaphore_mem>>) src(%dma_wait3A_679 : memref<128x32xf32, #tpu.memory_space<vmem>>) dst(%dma_wait3A_676 : memref<128x32xf32, #tpu.memory_space<hbm>>)
        tpu.yield
      }) : () -> ()
      %mul3A_648 = arith.constant 10 : i32
      %mul3A_649 = arith.muli %scan3A_7, %mul3A_648 : i32
      %add3A_650 = arith.constant 8 : i32
      %add3A_651 = arith.addi %mul3A_649, %add3A_650 : i32
      "tpu.region"() ({
        %run_scoped3A = tpu.sem_alloc : memref<!tpu.dma_semaphore, #tpu.memory_space<semaphore_mem>>
        %dma_start3A_656 = arith.constant 1024 : i32
        %dma_start3A_657 = arith.constant 0 : i32
        %dma_start3A_658 = tpu.memref_slice %arg6[%dma_start3A_656, %dma_start3A_657] : memref<1280x32xf32, #tpu.memory_space<vmem>> -> memref<128x32xf32, #tpu.memory_space<vmem>>
        %dma_start3A_659 = arith.constant 0 : i32
        %dma_start3A_660 = tpu.memref_slice %arg4[%add3A_651, %mul3A_2, %dma_start3A_659] : memref<200x4096x32xf32, #tpu.memory_space<hbm>> -> memref<1x128x32xf32, #tpu.memory_space<hbm>>
        %dma_start3A_661 = tpu.memref_squeeze %dma_start3A_660 : memref<1x128x32xf32, #tpu.memory_space<hbm>> -> memref<128x32xf32, #tpu.memory_space<hbm>>
        %dma_start3A_662 = arith.constant 0 : i32
        %dma_start3A_663 = tpu.memref_slice %arg4[%add3A_651, %mul3A_2, %dma_start3A_662] : memref<200x4096x32xf32, #tpu.memory_space<hbm>> -> memref<1x128x32xf32, #tpu.memory_space<hbm>>
        %dma_start3A_664 = tpu.memref_squeeze %dma_start3A_663 : memref<1x128x32xf32, #tpu.memory_space<hbm>> -> memref<128x32xf32, #tpu.memory_space<hbm>>
        %dma_start3A_665 = arith.constant 1024 : i32
        %dma_start3A_666 = arith.constant 0 : i32
        %dma_start3A_667 = tpu.memref_slice %arg6[%dma_start3A_665, %dma_start3A_666] : memref<1280x32xf32, #tpu.memory_space<vmem>> -> memref<128x32xf32, #tpu.memory_space<vmem>>
        tpu.enqueue_dma source(%dma_start3A_667 : memref<128x32xf32, #tpu.memory_space<vmem>>) target(%dma_start3A_664 : memref<128x32xf32, #tpu.memory_space<hbm>>) target_semaphore(%run_scoped3A : memref<!tpu.dma_semaphore, #tpu.memory_space<semaphore_mem>>)
        %dma_wait3A_668 = arith.constant 1024 : i32
        %dma_wait3A_669 = arith.constant 0 : i32
        %dma_wait3A_670 = tpu.memref_slice %arg6[%dma_wait3A_668, %dma_wait3A_669] : memref<1280x32xf32, #tpu.memory_space<vmem>> -> memref<128x32xf32, #tpu.memory_space<vmem>>
        %dma_wait3A_671 = arith.constant 0 : i32
        %dma_wait3A_672 = tpu.memref_slice %arg4[%add3A_651, %mul3A_2, %dma_wait3A_671] : memref<200x4096x32xf32, #tpu.memory_space<hbm>> -> memref<1x128x32xf32, #tpu.memory_space<hbm>>
        %dma_wait3A_673 = tpu.memref_squeeze %dma_wait3A_672 : memref<1x128x32xf32, #tpu.memory_space<hbm>> -> memref<128x32xf32, #tpu.memory_space<hbm>>
        %dma_wait3A_674 = arith.constant 0 : i32
        %dma_wait3A_675 = tpu.memref_slice %arg4[%add3A_651, %mul3A_2, %dma_wait3A_674] : memref<200x4096x32xf32, #tpu.memory_space<hbm>> -> memref<1x128x32xf32, #tpu.memory_space<hbm>>
        %dma_wait3A_676 = tpu.memref_squeeze %dma_wait3A_675 : memref<1x128x32xf32, #tpu.memory_space<hbm>> -> memref<128x32xf32, #tpu.memory_space<hbm>>
        %dma_wait3A_677 = arith.constant 1024 : i32
        %dma_wait3A_678 = arith.constant 0 : i32
        %dma_wait3A_679 = tpu.memref_slice %arg6[%dma_wait3A_677, %dma_wait3A_678] : memref<1280x32xf32, #tpu.memory_space<vmem>> -> memref<128x32xf32, #tpu.memory_space<vmem>>
        tpu.wait_dma2 semaphore(%run_scoped3A : memref<!tpu.dma_semaphore, #tpu.memory_space<semaphore_mem>>) src(%dma_wait3A_679 : memref<128x32xf32, #tpu.memory_space<vmem>>) dst(%dma_wait3A_676 : memref<128x32xf32, #tpu.memory_space<hbm>>)
        tpu.yield
      }) : () -> ()
      %mul3A_652 = arith.constant 10 : i32
      %mul3A_653 = arith.muli %scan3A_7, %mul3A_652 : i32
      %add3A_654 = arith.constant 9 : i32
      %add3A_655 = arith.addi %mul3A_653, %add3A_654 : i32
      "tpu.region"() ({
        %run_scoped3A = tpu.sem_alloc : memref<!tpu.dma_semaphore, #tpu.memory_space<semaphore_mem>>
        %dma_start3A_656 = arith.constant 1152 : i32
        %dma_start3A_657 = arith.constant 0 : i32
        %dma_start3A_658 = tpu.memref_slice %arg6[%dma_start3A_656, %dma_start3A_657] : memref<1280x32xf32, #tpu.memory_space<vmem>> -> memref<128x32xf32, #tpu.memory_space<vmem>>
        %dma_start3A_659 = arith.constant 0 : i32
        %dma_start3A_660 = tpu.memref_slice %arg4[%add3A_655, %mul3A_2, %dma_start3A_659] : memref<200x4096x32xf32, #tpu.memory_space<hbm>> -> memref<1x128x32xf32, #tpu.memory_space<hbm>>
        %dma_start3A_661 = tpu.memref_squeeze %dma_start3A_660 : memref<1x128x32xf32, #tpu.memory_space<hbm>> -> memref<128x32xf32, #tpu.memory_space<hbm>>
        %dma_start3A_662 = arith.constant 0 : i32
        %dma_start3A_663 = tpu.memref_slice %arg4[%add3A_655, %mul3A_2, %dma_start3A_662] : memref<200x4096x32xf32, #tpu.memory_space<hbm>> -> memref<1x128x32xf32, #tpu.memory_space<hbm>>
        %dma_start3A_664 = tpu.memref_squeeze %dma_start3A_663 : memref<1x128x32xf32, #tpu.memory_space<hbm>> -> memref<128x32xf32, #tpu.memory_space<hbm>>
        %dma_start3A_665 = arith.constant 1152 : i32
        %dma_start3A_666 = arith.constant 0 : i32
        %dma_start3A_667 = tpu.memref_slice %arg6[%dma_start3A_665, %dma_start3A_666] : memref<1280x32xf32, #tpu.memory_space<vmem>> -> memref<128x32xf32, #tpu.memory_space<vmem>>
        tpu.enqueue_dma source(%dma_start3A_667 : memref<128x32xf32, #tpu.memory_space<vmem>>) target(%dma_start3A_664 : memref<128x32xf32, #tpu.memory_space<hbm>>) target_semaphore(%run_scoped3A : memref<!tpu.dma_semaphore, #tpu.memory_space<semaphore_mem>>)
        %dma_wait3A_668 = arith.constant 1152 : i32
        %dma_wait3A_669 = arith.constant 0 : i32
        %dma_wait3A_670 = tpu.memref_slice %arg6[%dma_wait3A_668, %dma_wait3A_669] : memref<1280x32xf32, #tpu.memory_space<vmem>> -> memref<128x32xf32, #tpu.memory_space<vmem>>
        %dma_wait3A_671 = arith.constant 0 : i32
        %dma_wait3A_672 = tpu.memref_slice %arg4[%add3A_655, %mul3A_2, %dma_wait3A_671] : memref<200x4096x32xf32, #tpu.memory_space<hbm>> -> memref<1x128x32xf32, #tpu.memory_space<hbm>>
        %dma_wait3A_673 = tpu.memref_squeeze %dma_wait3A_672 : memref<1x128x32xf32, #tpu.memory_space<hbm>> -> memref<128x32xf32, #tpu.memory_space<hbm>>
        %dma_wait3A_674 = arith.constant 0 : i32
        %dma_wait3A_675 = tpu.memref_slice %arg4[%add3A_655, %mul3A_2, %dma_wait3A_674] : memref<200x4096x32xf32, #tpu.memory_space<hbm>> -> memref<1x128x32xf32, #tpu.memory_space<hbm>>
        %dma_wait3A_676 = tpu.memref_squeeze %dma_wait3A_675 : memref<1x128x32xf32, #tpu.memory_space<hbm>> -> memref<128x32xf32, #tpu.memory_space<hbm>>
        %dma_wait3A_677 = arith.constant 1152 : i32
        %dma_wait3A_678 = arith.constant 0 : i32
        %dma_wait3A_679 = tpu.memref_slice %arg6[%dma_wait3A_677, %dma_wait3A_678] : memref<1280x32xf32, #tpu.memory_space<vmem>> -> memref<128x32xf32, #tpu.memory_space<vmem>>
        tpu.wait_dma2 semaphore(%run_scoped3A : memref<!tpu.dma_semaphore, #tpu.memory_space<semaphore_mem>>) src(%dma_wait3A_679 : memref<128x32xf32, #tpu.memory_space<vmem>>) dst(%dma_wait3A_676 : memref<128x32xf32, #tpu.memory_space<hbm>>)
        tpu.yield
      }) : () -> ()
    }
    %scan3A_6 = arith.constant 20 : i32
    return
  }
}

</mosaic_0001>

<sc_bundles>
// kernel: kernel.3.cloned.1.call-start
scs
__scs_entry_jumppad:
0x0: {  	(pc) =	sbr.rel $0x88, $3  }
0x1: {  	(tag) =	ssettag $0x0;
	lr =	simm.s32 $0x1  }
0x2: {  	[smem:$0x3F9F] =	sst lr;
	_ =	strace $0xD0000000  }
0x3: {  	_ = 	snop  }
0x4: {  	_ = 	snop  }
0x5: {  	_ = 	snop  }
0x6: {  	_ = 	snop  }
0x7: {  	_ = 	snop  }
__scs_overlays_trampoline_lowered:
0x8: {  	[smem:$0x3FAE] =	sst s0  }
0x9: {  	[smem:$0x3FAF] =	sst s1  }
0xa: {  	[smem:$0x3FB0] =	sst s2  }
0xb: {  	[smem:$0x3FB1] =	sst s3  }
0xc: {  	[smem:$0x3FB2] =	sst s4  }
0xd: {  	[smem:$0x3FB3] =	sst s5  }
0xe: {  	[smem:$0x3FB4] =	sst s6  }
0xf: {  	[smem:$0x3FB5] =	sst s7  }
0x10: {  	[smem:$0x3FB6] =	sst s8  }
0x11: {  	[smem:$0x3FB7] =	sst s9;
	s0 =	simm.s32 @!p0 $0x0  }
0x12: {  	s1 =	sld [smem:$0x3F9D];
	s0 =	simm.s32 @p0 $0x1  }
0x13: {  	[smem:$0x3FB8] =	sst s0;
	s0 =	simm.s32 @!p1 $0x0  }
0x14: {  	s2 =	sld [smem:$0x3F9C];
	s0 =	simm.s32 @p1 $0x1  }
0x15: {  	[smem:$0x3FB9] =	sst s0;
	s0 =	simm.s32 @!p2 $0x0  }
0x16: {  	s3 =	sld [smem:$0x3FDB];
	s0 =	simm.s32 @p2 $0x1  }
0x17: {  	s4 =	simm.s32 $0x1BF5;
	[smem:$0x3FBB] =	sst s0  }
0x18: {  	s0 =	sld [smem:$0x3F9E];
	_ =	swait.ge [sflag:s4], $0x0  }
0x19: {  	s7 =	sld [smem:$0x3F9F]  }
0x1a: {  	s8 =	sadd.s32 $0xFFFFE003, lr  }
0x1b: {  	s9 =	sadd.s32 $0xFFFFFEF7, lr;
	s5 =	simm.s32 $0xFFFFFFFF;
	p2 =	slt.u32 s8, $0xFFFFF086  }
0x1c: {  	p1 =	slt.u32 s9, $0xF7A;
	s5 =	simm.s32 @!p2 $0x0  }
0x1d: {  	s5 =	simm.s32 @p1 $0x1;
	p0 =	seq.s32 s7, s2  }
0x1e: {  	s7 =	smul.u32 @!p0 $0xF7A, s2;
	p2 =	seq.s32 @!p0 s5, $0x0  }
0x1f: {  	s9 =	smul.u32 $0xF7A, s1;
	s8 =	simm.s32 @!p0 $0x1BF5;
	p2 =	por !p2, p0  }
0x20: {  	[sflag:s8] =	ssyncset.s32 @!p0 $0xFFFFF086;
	s6 =	sadd.s32 @!p0 s3, s7;
	s7 =	simm.s32 @!p0 $0x108  }
0x21: {  	s3 =	sadd.s32 s3, s9;
	s6 =	sadd.s32 @!p0 $0x88, s6;
	s7 =	simm.s32 @p2 $0x1082  }
0x22: {  	[simem:s7], [sflag:s8] =	dma.local @!p0 [hbm:s6], $0xF7A  }
0x23: {  	s9 =	sor.u32 $0xD0000000, s2;
	s6 =	simm.s32 $0x108;
	_ =	swait.ge @!p0 [sflag:s8], $0x0  }
0x24: {  	s3 =	sadd.s32 $0x88, s3;
	s6 =	simm.s32 @!p1 $0x1082;
	[sflag:s4] =	ssyncset.s32 $0xFFFFF086  }
0x25: {  	[simem:s6], [sflag:s4] =	dma.local [hbm:s3], $0xF7A  }
0x26: {  	[smem:$0x3F9F] =	sst s1;
	(tag) =	ssettag s2;
	_ =	strace s9  }
0x27: {  	s1 =	sld [smem:$0x3FAF]  }
0x28: {  	s2 =	sld [smem:$0x3FB0]  }
0x29: {  	s4 =	sld [smem:$0x3FB2]  }
0x2a: {  	p0 =	seq.s32 s5, $0x0;
	s5 =	sld [smem:$0x3FB3]  }
0x2b: {  	s6 =	sld [smem:$0x3FB4]  }
0x2c: {  	s7 =	sld [smem:$0x3FB5]  }
0x2d: {  	s3 =	simm.s32 $0x108;
	s8 =	sld [smem:$0x3FB6]  }
0x2e: {  	s3 =	simm.s32 @!p0 $0x1082;
	s9 =	sld [smem:$0x3FB7]  }
0x2f: {  	lr =	sadd.s32 s0, s3;
	s0 =	sld [smem:$0x3FAE]  }
0x30: {  	s3 =	sld [smem:$0x3FB1]  }
0x31: {  	[smem:$0x3FBA] =	sst s10  }
0x32: {  	s10 =	sld [smem:$0x3FB8];
	_ =	sdelay $0x3  }
0x33: {  	p0 =	seq.s32 s10, $0x1;
	s10 =	sld [smem:$0x3FBA];
	_ =	sdelay $0x3  }
0x34: {  	[smem:$0x3FBA] =	sst s10  }
0x35: {  	s10 =	sld [smem:$0x3FB9];
	_ =	sdelay $0x3  }
0x36: {  	p1 =	seq.s32 s10, $0x1;
	s10 =	sld [smem:$0x3FBA];
	_ =	sdelay $0x3  }
0x37: {  	[smem:$0x3FBA] =	sst s10  }
0x38: {  	s10 =	sld [smem:$0x3FBB]  }
0x39: {  	_ = 	snop;
	(pc) =	sbr.ind lr, $3  }
0x3a: {  	_ = 	snop  }
0x3b: {  	_ = 	snop  }
0x3c: {  	p2 =	seq.s32 s10, $0x1;
	s10 =	sld [smem:$0x3FBA]  }
0x3d: {  	_ =	shalt  }
0x3e: {  	_ =	shalt  }
0x3f: {  	_ =	shalt  }
0x40: {  	_ =	shalt  }
0x41: {  	_ =	shalt  }
0x42: {  	_ =	shalt  }
0x43: {  	_ =	shalt  }
0x44: {  	_ =	shalt  }
0x45: {  	_ =	shalt  }
0x46: {  	_ =	shalt  }
0x47: {  	_ =	shalt  }
0x48: {  	_ =	shalt  }
0x49: {  	_ =	shalt  }
0x4a: {  	_ =	shalt  }
0x4b: {  	_ =	shalt  }
0x4c: {  	_ =	shalt  }
0x4d: {  	_ =	shalt  }
0x4e: {  	_ =	shalt  }
0x4f: {  	_ =	shalt  }
0x50: {  	_ =	shalt  }
0x51: {  	_ =	shalt  }
0x52: {  	_ =	shalt  }
0x53: {  	_ =	shalt  }
0x54: {  	_ =	shalt  }
0x55: {  	_ =	shalt  }
0x56: {  	_ =	shalt  }
0x57: {  	_ =	shalt  }
0x58: {  	_ =	shalt  }
0x59: {  	_ =	shalt  }
0x5a: {  	_ =	shalt  }
0x5b: {  	_ =	shalt  }
0x5c: {  	_ =	shalt  }
0x5d: {  	_ =	shalt  }
0x5e: {  	_ =	shalt  }
0x5f: {  	_ =	shalt  }
0x60: {  	_ =	shalt  }
0x61: {  	_ =	shalt  }
0x62: {  	_ =	shalt  }
0x63: {  	_ =	shalt  }
0x64: {  	_ =	shalt  }
0x65: {  	_ =	shalt  }
0x66: {  	_ =	shalt  }
0x67: {  	_ =	shalt  }
0x68: {  	_ =	shalt  }
0x69: {  	_ =	shalt  }
0x6a: {  	_ =	shalt  }
0x6b: {  	_ =	shalt  }
0x6c: {  	_ =	shalt  }
0x6d: {  	_ =	shalt  }
0x6e: {  	_ =	shalt  }
0x6f: {  	_ =	shalt  }
0x70: {  	_ =	shalt  }
0x71: {  	_ =	shalt  }
0x72: {  	_ =	shalt  }
0x73: {  	_ =	shalt  }
0x74: {  	_ =	shalt  }
0x75: {  	_ =	shalt  }
0x76: {  	_ =	shalt  }
0x77: {  	_ =	shalt  }
0x78: {  	_ =	shalt  }
0x79: {  	_ =	shalt  }
0x7a: {  	_ =	shalt  }
0x7b: {  	_ =	shalt  }
0x7c: {  	_ =	shalt  }
0x7d: {  	_ =	shalt  }
0x7e: {  	_ =	shalt  }
0x7f: {  	_ =	shalt  }
0x80: {  	_ =	shalt  }
0x81: {  	_ =	shalt  }
0x82: {  	_ =	shalt  }
0x83: {  	_ =	shalt  }
0x84: {  	_ =	shalt  }
0x85: {  	_ =	shalt  }
0x86: {  	_ =	shalt  }
0x87: {  	_ =	shalt  }
.Lfunc_end0:
.L_simem_size_0:
called_computation.1_lowered:
.L_overlay_start_0:
0x88: {  	s2 =	sld [smem:$0x3FD9]  }
0x89: {  	s3 =	sld [smem:$0x3FFE];
	_ =	sdelay $0x1  }
0x8a: {  	s1 =	srdreg.scid  }
0x8b: {  	s0 =	sand.u32 $0x1, s1  }
0x8c: {  	s17 =	sshll.u32 s0, $0xA;
	s2 =	sadd.s32 s3, s2  }
0x8d: {  	s2 =	sadd.s32 s2, s17  }
0x8e: {  	[smem:$0x3FC6] =	sst s2  }
0x8f: {  	_ = 	snop  }
0x90: {  	s2 =	sld [smem:$0x3FD0];
	(tm) =	ssettm $0x1  }
0x91: {  	s18 =	sld [smem:$0x3FFB];
	_ =	sdelay $0x3  }
0x92: {  	_ =	strace s18  }
0x93: {  	s3 =	sld [smem:$0x3FFC];
	_ =	sdelay $0x3  }
0x94: {  	_ =	strace s3  }
0x95: {  	s3 =	sld [smem:$0x3FFD];
	_ =	sdelay $0x3  }
0x96: {  	_ =	strace s3  }
0x97: {  	_ =	strace $0x8FFFFFFF  }
0x98: {  	s19 =	sld [smem:$0x3FDB];
	_ =	sdelay $0x1  }
0x99: {  	s4 =	simm.s32 $_scs_section_size  }
0x9a: {  	s5 =	simm.s32 $_size__tile_overlayer_lowered;
	s6 =	simm.s32 $_tile_overlayer_lowered  }
0x9b: {  	s22 =	simm.s32 $0x1BFF;
	s21 =	sshll.u32 s6, $0x1;
	s3 =	sadd.s32 s4, s19  }
0x9c: {  	s7 =	simm.s32 $0x0;
	s20 =	sshll.u32 s5, $0x1;
	s5 =	sadd.s32 s21, s3  }
0x9d: {  	[timem:s7], [sflag:s22] =	dma.local [hbm:s5], s20  }
0x9e: {  	_ =	swait.ge [sflag:s22], s20  }
0x9f: {  	s4 =	ssub.s32 $0x0, s20;
	[sflag:s22] =	ssyncset.done $0x0  }
0xa0: {  	[sflag:s22] =	ssyncadd.s32 s4;
	_ =	sdelay $0x1  }
0xa1: {  	s23 =	simm.s32 $0x1B8B  }
0xa2: {  	_ =	swait.ge [sflag:s23], $0x1  }
0xa3: {  	[sflag:s23] =	ssyncset.done $0x0  }
0xa4: {  	s25 =	simm.s32 $0x1B8E;
	s24 =	sld [smem:$0x3FFE];
	[sflag:s23] =	ssyncadd.s32 $0xFFFFFFFF  }
0xa5: {  	s26 =	simm.s32 $execute0_lowered;
	[smem:$0x3FD2] =	sst s25  }
0xa6: {  	s5 =	sshll.u32 s26, $0x1;
	_ =	strace $0x80000046;
	[dreg:$0x1] =	wrdreg $0xFFFFFFFF  }
0xa7: {  	s28 =	simm.s32 $_size_execute0_lowered;
	s3 =	sadd.s32 s3, s5;
	[dreg:$0x0] =	wrdreg $0x0  }
0xa8: {  	s5 =	sshll.u32 s28, $0x1;
	[dreg:$0x2] =	wrdreg s3  }
0xa9: {  	[dreg:$0x3] =	wrdreg s5  }
0xaa: {  	[dreg:$0x4] =	wrdreg $0xC0  }
0xab: {  	_ =	task [dreg:s7], $0x5FFFF  }
0xac: {  	[dreg:$0x1] =	wrdreg $0xFFFFFFFF  }
0xad: {  	[dreg:$0x0] =	wrdreg $0x60  }
0xae: {  	[dreg:$0x2] =	wrdreg s24  }
0xaf: {  	[dreg:$0x3] =	wrdreg s2  }
0xb0: {  	[dreg:$0x4] =	wrdreg $0x9  }
0xb1: {  	_ =	task.clear_ibuf [dreg:s7], $0x5FFFF;
	_ =	strace $0x90000046  }
0xb2: {  	s29 =	simm.s32 $0x9;
	_ =	strace $0x80000048  }
0xb3: {  	_ =	swait.ge [sflag:s29], $0x1  }
0xb4: {  	[sflag:s29] =	ssyncadd.s32 $0xFFFFFFFF  }
0xb5: {  	_ =	strace $0x90000048  }
0xb6: {  	_ =	sfence  }
0xb7: {  	s30 =	sld [smem:$0x0];
	_ =	sdelay $0x2  }
0xb8: {  	s31 =	sshll.u32 s1, $0xD;
	s1 =	sshrl.u32 s1, $0x2  }
0xb9: {  	s3 =	sand.u32 $0x4000, s31;
	s1 =	sadd.s32 s1, s30  }
0xba: {  	s0 =	sor.u32 s3, s0;
	s1 =	sshll.u32 s1, $0x11  }
0xbb: {  	s0 =	sor.u32 s1, s0  }
0xbc: {  	s0 =	sadd.s32 $0x8F2B, s0  }
0xbd: {  	[sflag:s0] =	ssyncadd.remote.s32 $0x1  }
0xbe: {  	_ =	sfence.sel $0xFFFF  }
0xbf: {  	[dreg:$0x0] =	wrdreg $0xFFFFFFFF;
	(pc) =	sbr.abs _section_cstart, $3  }
0xc0: {  	[dreg:$0x1] =	wrdreg $0xFFFFFFFF  }
0xc1: {  	_ =	task.clear_ibuf [dreg:s7], $0x2FFFF;
	_ =	strace $0x9FFFFFFF  }
0xc2: {  	(tm) =	ssettm $0x7FFFFFFF  }
0xc3: {  	_ =	shalt  }
tec
execute0_lowered:
.L_overlay_start_1:
0x0: {  	(tag) =	ssettag $0x1  }
0x1: {  	s0 =	rddreg [dreg:$0x0]  }
0x2: {  	s1 =	rddreg [dreg:$0x1]  }
0x3: {  	s2 =	simm.s32 $0x0;
	s4 =	srdreg.scid;
	s7 =	stileid.u32  }
0x4: {  	[smem:$0x7FF] =	sst s2;
	s3 =	sadd.s32 $0xF42E00, s0;
	s4 =	sand.u32 $0x1, s4  }
0x5: {  	s5 =	sshll.u32 s7, $0x8;
	s7 =	sshll.u32 s7, $0xD;
	s2 =	simm.s32 $0x80  }
0x6: {  	_ =	strace $0x80000047;
	s6 =	sshll.u32 s4, $0x7;
	s8 =	sshll.u32 s4, $0xC  }
0x7: {  	s4 =	ssub.s32 $0x2, s4;
	s5 =	sor.u32 s6, s5;
	s9 =	sor.u32 s8, s7  }
0x8: {  	s10 =	sshrl.u32 s4, $0x1;
	s0 =	sadd.s32 s5, s0;
	s7 =	sshrl.u32 s9, $0x3  }
0x9: {  	s4 =	ssub.s32 s4, s10;
	s12 =	sor.u32 $0x20000, s9;
	s14 =	sor.u32 $0x120000, s9  }
0xa: {  	s8 =	sor.u32 $0x100000, s9;
	s18 =	sor.u32 $0xE0000, s9;
	s20 =	sor.u32 $0xC0000, s9  }
0xb: {  	s21 =	sor.u32 $0xA0000, s9;
	s25 =	sor.u32 $0x80000, s9;
	s28 =	sor.u32 $0x60000, s9  }
0xc: {  	s6 =	sor.u32 $0x40000, s9;
	s11 =	sadd.s32 s7, s1;
	s13 =	sshrl.u32 s12, $0x3  }
0xd: {  	s7 =	sshrl.u32 s14, $0x3;
	s16 =	sshrl.u32 s8, $0x3;
	s19 =	sshrl.u32 s18, $0x3  }
0xe: {  	s23 =	sshrl.u32 s21, $0x3;
	s0 =	sadd.s32 $0xA00, s0;
	[dreg:$0x3] =	wrdreg s11  }
0xf: {  	s26 =	sshrl.u32 s25, $0x3;
	s31 =	smax.u32 s4, $0x1;
	[dreg:$0xe] =	wrdreg s0  }
0x10: {  	s6 =	sshrl.u32 s6, $0x3;
	s5 =	sadd.s32 s13, s1;
	[dreg:$0xf] =	wrdreg s31  }
0x11: {  	s8 =	simm.s32 $0x2;
	s15 =	sadd.s32 s7, s1;
	[dreg:$0x4] =	wrdreg s5  }
0x12: {  	s14 =	simm.s32 $0x6400;
	s17 =	sadd.s32 s16, s1;
	[dreg:$0x5] =	wrdreg s15  }
0x13: {  	s25 =	simm.s32 $0xA400;
	s24 =	sadd.s32 s23, s1;
	[dreg:$0x6] =	wrdreg s17  }
0x14: {  	s7 =	sshrl.u32 s20, $0x3;
	s30 =	sadd.s32 s6, s1;
	[dreg:$0x9] =	wrdreg s24  }
0x15: {  	s16 =	simm.s32 $0x8400;
	s5 =	sadd.s32 s19, s1;
	[dreg:$0xc] =	wrdreg s30  }
0x16: {  	s20 =	simm.s32 $0x1;
	s22 =	sadd.s32 s7, s1;
	[dreg:$0x7] =	wrdreg s5  }
0x17: {  	s7 =	sshrl.u32 s28, $0x3;
	[dreg:$0x8] =	wrdreg s22;
	s5 =	sadd.s32 s26, s1  }
0x18: {  	s15 =	simm.s32 $0x7400;
	s29 =	sadd.s32 s7, s1;
	[dreg:$0xa] =	wrdreg s5  }
0x19: {  	s17 =	simm.s32 $0x9400;
	s1 =	simm.s32 $0x0;
	[dreg:$0xb] =	wrdreg s29  }
.LBB2_1:
0x1a: {  	[dreg:$0x10] =	wrdreg s1  }
0x1b: {  	s0 =	rddreg [dreg:$0xe];
	s11 =	simm.s32 $0x400;
	s4 =	simm.s32 $0x8000  }
0x1c: {  	s9 =	simm.s32 $0x0;
	s28 =	simm.s32 $0x480;
	s12 =	simm.s32 $0x1000  }
0x1d: {  	s13 =	simm.s32 $0x1200;
	s22 =	simm.s32 $0x28000;
	s18 =	simm.s32 $0xE00  }
0x1e: {  	s19 =	simm.s32 $0xC00;
	s5 =	simm.s32 $0x100;
	s6 =	simm.s32 $0x300  }
0x1f: {  	s7 =	simm.s32 $0x600;
	s21 =	simm.s32 $0x180;
	s10 =	simm.s32 $0x0  }
0x20: {  	[tilespmem:s9], [sflag:$0x2] =	stream.strided.gather [hbm4b:s0+s11], $0x6400, s4, s11, $0x38;
	[tilespmem:$0x10400] =	vst v63  }
0x21: {  	s26 =	simm.s32 $0xA00;
	s0 =	sand.u32 $0x7F000, s12;
	s1 =	sand.u32 $0x7F000, s13  }
0x22: {  	s4 =	sand.u32 $0x7F000, s18;
	s6 =	sand.u32 $0x300, s6;
	s7 =	sand.u32 $0x7F000, s7  }
0x23: {  	s10 =	sand.u32 $0x3F000, s10;
	s11 =	simm.s32 $0x80;
	s13 =	simm.s32 $0x280  }
0x24: {  	s5 =	sand.u32 $0x300, s5;
	_ =	swait.ge [sflag:s8], $0x6400;
	s30 =	sshrl.u32 s0, $0x2  }
0x25: {  	s29 =	sshrl.u32 s1, $0x2;
	s0 =	simm.s32 $0x380;
	s31 =	sshrl.u32 s4, $0x2  }
0x26: {  	s1 =	simm.s32 $0x50000;
	s4 =	sand.u32 $0x7F000, s19;
	s7 =	sshrl.u32 s7, $0x2  }
0x27: {  	s23 =	sshrl.u32 s10, $0x2;
	s24 =	sand.u32 $0x380, s11;
	s11 =	sand.u32 $0x7F000, s26  }
0x28: {  	s13 =	sand.u32 $0x380, s13;
	s10 =	sand.u32 $0x300, s9;
	s26 =	simm.s32 $0x2200  }
0x29: {  	[sflag:s8] =	ssyncset.done $0x0;
	s4 =	sshrl.u32 s4, $0x2;
	s12 =	sor.u32 s24, s23  }
0x2a: {  	s11 =	sshrl.u32 s11, $0x2;
	s24 =	simm.s32 $0x2600;
	[sflag:s8] =	ssyncadd.s32 $0xFFFF9C00  }
0x2b: {  	s6 =	sor.u32 s6, s4;
	s4 =	sand.u32 $0x380, s21;
	s21 =	simm.s32 $0x400  }
0x2c: {  	s4 =	sor.u32 s4, s7;
	s21 =	sand.u32 $0x7F000, s21;
	s7 =	sor.u32 s10, s23  }
0x2d: {  	[tilespmem:s14], [sflag:$0x1] =	stream.indirect.gather [hbm4b:s3+s2], $0x20, s7, s2, $0xb8;
	[tilespmem:$0x10400] =	vst v63  }
0x2e: {  	s18 =	sand.u32 $0x7F000, s24;
	s14 =	simm.s32 $0x800;
	s23 =	sshrl.u32 s21, $0x2  }
0x2f: {  	[tilespmem:s15], [sflag:$0x1] =	stream.indirect.gather [hbm4b:s3+s2], $0x20, s12, s2, $0xb8;
	[tilespmem:$0x10400] =	vst v63  }
0x30: {  	s21 =	sor.u32 s13, s11;
	s7 =	sand.u32 $0x7F000, s14;
	s5 =	sor.u32 s5, s23  }
0x31: {  	[tilespmem:s16], [sflag:$0x1] =	stream.indirect.gather [hbm4b:s3+s2], $0x20, s5, s2, $0xb8;
	[tilespmem:$0x10400] =	vst v63  }
0x32: {  	s15 =	simm.s32 $0x2400;
	s19 =	sshrl.u32 s7, $0x2;
	s16 =	simm.s32 $0x200  }
0x33: {  	s7 =	sand.u32 $0x7F000, s26;
	s26 =	simm.s32 $0x0;
	s23 =	sand.u32 $0x300, s16  }
0x34: {  	[tilespmem:s17], [sflag:$0x1] =	stream.indirect.gather [hbm4b:s3+s2], $0x20, s4, s2, $0xb8;
	[tilespmem:$0x10400] =	vst v63  }
0x35: {  	s5 =	sand.u32 $0x7F000, s15;
	s4 =	sor.u32 s23, s19;
	s23 =	simm.s32 $0x980  }
0x36: {  	[tilespmem:s25], [sflag:$0x1] =	stream.indirect.gather [hbm4b:s3+s2], $0x20, s4, s2, $0xb8;
	[tilespmem:$0x10400] =	vst v63  }
0x37: {  	s4 =	sshrl.u32 s5, $0x2;
	s5 =	sshrl.u32 s18, $0x2;
	s25 =	simm.s32 $0x0  }
.LBB2_2:
0x38: {  	s11 =	sadd.s32 $0xFFFFFF00, s23  }
0x39: {  	s12 =	sshrl.u32 s7, $0x2;
	s18 =	smov.u32 s1;
	s19 =	simm.s32 $0xB400  }
0x3a: {  	[tilespmem:s19], [sflag:$0x1] =	stream.indirect.gather [hbm4b:s3+s2], $0x20, s21, s2, $0xb8;
	[tilespmem:$0x10400] =	vst v63  }
0x3b: {  	s0 =	sand.u32 $0x380, s0;
	s9 =	simm.s32 $0xD400;
	s21 =	simm.s32 $0xC400  }
0x3c: {  	[tilespmem:s21], [sflag:$0x1] =	stream.indirect.gather [hbm4b:s3+s2], $0x20, s6, s2, $0xb8;
	[tilespmem:$0x10400] =	vst v63  }
0x3d: {  	s10 =	sor.u32 s10, s30;
	s13 =	simm.s32 $0xF400;
	s7 =	sor.u32 s0, s31  }
0x3e: {  	[tilespmem:s9], [sflag:$0x1] =	stream.indirect.gather [hbm4b:s3+s2], $0x20, s7, s2, $0xb8;
	[tilespmem:$0x10400] =	vst v63  }
0x3f: {  	s0 =	smov.u32 s11;
	s11 =	sand.u32 $0x380, s28;
	s9 =	simm.s32 $0xE400  }
0x40: {  	[tilespmem:s9], [sflag:$0x1] =	stream.indirect.gather [hbm4b:s3+s2], $0x20, s10, s2, $0xb8;
	[tilespmem:$0x10400] =	vst v63  }
0x41: {  	[dreg:$0xd] =	wrdreg s18;
	s31 =	smov.u32 s12;
	s12 =	sor.u32 s11, s29  }
0x42: {  	[tilespmem:s13], [sflag:$0x1] =	stream.indirect.gather [hbm4b:s3+s2], $0x20, s12, s2, $0xb8;
	[tilespmem:$0x10400] =	vst v63  }
0x43: {  	_ =	swait.ge [sflag:s20], $0x1000  }
0x44: {  	[sflag:s20] =	ssyncset.done $0x0  }
0x45: {  	[sflag:s20] =	ssyncadd.s32 $0xFFFFF000  }
0x46: {  	_ =	swait.ge [sflag:s20], $0x1000  }
0x47: {  	[sflag:s20] =	ssyncset.done $0x0  }
0x48: {  	[sflag:s20] =	ssyncadd.s32 $0xFFFFF000  }
0x49: {  	_ =	swait.ge [sflag:s20], $0x1000  }
0x4a: {  	[sflag:s20] =	ssyncset.done $0x0  }
0x4b: {  	[sflag:s20] =	ssyncadd.s32 $0xFFFFF000  }
0x4c: {  	_ =	swait.ge [sflag:s20], $0x1000  }
0x4d: {  	[sflag:s20] =	ssyncset.done $0x0  }
0x4e: {  	[sflag:s20] =	ssyncadd.s32 $0xFFFFF000  }
0x4f: {  	_ =	swait.ge [sflag:s20], $0x1000  }
0x50: {  	[sflag:s20] =	ssyncset.done $0x0  }
0x51: {  	[sflag:s20] =	ssyncadd.s32 $0xFFFFF000  }
0x52: {  	_ =	swait.ge [sflag:s20], $0x1000  }
0x53: {  	s30 =	smov.u32 s4;
	s14 =	sadd.s32 $0xFFFFFA00, s24;
	[sflag:s20] =	ssyncset.done $0x0  }
0x54: {  	s15 =	sadd.s32 $0xFFFFFE80, s23;
	s16 =	sadd.s32 $0xFFFFF400, s24;
	[sflag:s20] =	ssyncadd.s32 $0xFFFFF000  }
0x55: {  	s17 =	sadd.s32 $0xFFFFEE00, s24;
	s4 =	sand.u32 $0x7F000, s14;
	_ =	swait.ge [sflag:s20], $0x1000  }
0x56: {  	s18 =	sadd.s32 $0xFFFFFD00, s23;
	s19 =	sadd.s32 $0xFFFFFC00, s23;
	[sflag:s20] =	ssyncset.done $0x0  }
0x57: {  	s29 =	smov.u32 s5;
	s5 =	sand.u32 $0x300, s15;
	[sflag:s20] =	ssyncadd.s32 $0xFFFFF000  }
0x58: {  	s4 =	sshrl.u32 s4, $0x2;
	s11 =	sand.u32 $0x380, s18;
	_ =	swait.ge [sflag:s20], $0x1000  }
0x59: {  	s18 =	sadd.s32 $0xFFFFF200, s24;
	s6 =	sor.u32 s5, s4;
	[sflag:s20] =	ssyncset.done $0x0  }
0x5a: {  	s5 =	sand.u32 $0x3F000, s17;
	s4 =	sand.u32 $0x7F000, s16;
	[sflag:s20] =	ssyncadd.s32 $0xFFFFF000  }
0x5b: {  	s21 =	sand.u32 $0x380, s19;
	s16 =	simm.s32 $0x6400;
	_ =	swait.ge [sflag:s20], $0x1000  }
0x5c: {  	s4 =	sshrl.u32 s4, $0x2;
	s7 =	sadd.s32 $0xFFFFF800, s24;
	[sflag:s20] =	ssyncset.done $0x0  }
0x5d: {  	s4 =	sor.u32 s11, s4;
	s11 =	sand.u32 $0x7F000, s7;
	[sflag:s20] =	ssyncadd.s32 $0xFFFFF000  }
0x5e: {  	s9 =	sadd.s32 $0xFFFFFE00, s23;
	s13 =	sshrl.u32 s5, $0x2;
	_ =	swait.ge [sflag:s20], $0x1000  }
0x5f: {  	s12 =	sand.u32 $0x380, s9;
	s14 =	rddreg [dreg:$0x3];
	[sflag:s20] =	ssyncset.done $0x0  }
0x60: {  	s9 =	simm.s32 $0x0;
	[sflag:s20] =	ssyncadd.s32 $0xFFFFF000;
	s15 =	sadd.s32 s26, s14  }
0x61: {  	[hbm4b:s15+s9] =	stream.linear.scatter [tilespmem:s16], [sflag:$0x2], $0x1000, $0x38;
	[tilespmem:$0x10400] =	vst v63  }
0x62: {  	s11 =	sshrl.u32 s11, $0x2;
	s5 =	sor.u32 s21, s13;
	_ =	swait.ge [sflag:s8], $0x1000  }
0x63: {  	s21 =	sor.u32 s12, s11;
	s17 =	rddreg [dreg:$0x4];
	[sflag:s8] =	ssyncset.done $0x0  }
0x64: {  	[sflag:s8] =	ssyncadd.s32 $0xFFFFF000;
	s11 =	sadd.s32 s26, s17;
	s17 =	simm.s32 $0x7400  }
0x65: {  	[hbm4b:s11+s9] =	stream.linear.scatter [tilespmem:s17], [sflag:$0x2], $0x1000, $0x38;
	[tilespmem:$0x10400] =	vst v63  }
0x66: {  	s10 =	sadd.s32 $0xFFFFFC80, s23;
	s11 =	sand.u32 $0x7F000, s18  }
0x67: {  	s10 =	sand.u32 $0x300, s10;
	_ =	swait.ge [sflag:s8], $0x1000;
	s15 =	sshrl.u32 s11, $0x2  }
0x68: {  	s7 =	rddreg [dreg:$0xc];
	[sflag:s8] =	ssyncset.done $0x0;
	s12 =	sor.u32 s10, s15  }
0x69: {  	s15 =	simm.s32 $0x8400;
	[sflag:s8] =	ssyncadd.s32 $0xFFFFF000;
	s14 =	sadd.s32 s26, s7  }
0x6a: {  	[hbm4b:s14+s9] =	stream.linear.scatter [tilespmem:s15], [sflag:$0x2], $0x1000, $0x38;
	[tilespmem:$0x10400] =	vst v63  }
0x6b: {  	_ =	swait.ge [sflag:s8], $0x1000  }
0x6c: {  	s18 =	rddreg [dreg:$0xb];
	[sflag:s8] =	ssyncset.done $0x0  }
0x6d: {  	[sflag:s8] =	ssyncadd.s32 $0xFFFFF000;
	s14 =	sadd.s32 s26, s18;
	s18 =	simm.s32 $0x9400  }
0x6e: {  	[hbm4b:s14+s9] =	stream.linear.scatter [tilespmem:s18], [sflag:$0x2], $0x1000, $0x38;
	[tilespmem:$0x10400] =	vst v63  }
0x6f: {  	s19 =	sadd.s32 $0xFFFFF600, s24;
	_ =	swait.ge [sflag:s8], $0x1000  }
0x70: {  	s11 =	sand.u32 $0x7F000, s19;
	s19 =	rddreg [dreg:$0xa];
	[sflag:s8] =	ssyncset.done $0x0  }
0x71: {  	[sflag:s8] =	ssyncadd.s32 $0xFFFFF000;
	s14 =	sadd.s32 s26, s19;
	s19 =	simm.s32 $0xA400  }
0x72: {  	[hbm4b:s14+s9] =	stream.linear.scatter [tilespmem:s19], [sflag:$0x2], $0x1000, $0x38;
	[tilespmem:$0x10400] =	vst v63  }
0x73: {  	_ =	swait.ge [sflag:s8], $0x1000  }
0x74: {  	s7 =	rddreg [dreg:$0x9];
	[sflag:s8] =	ssyncset.done $0x0  }
0x75: {  	[sflag:s8] =	ssyncadd.s32 $0xFFFFF000;
	s14 =	sadd.s32 s26, s7;
	s7 =	simm.s32 $0xB400  }
0x76: {  	[hbm4b:s14+s9] =	stream.linear.scatter [tilespmem:s7], [sflag:$0x2], $0x1000, $0x38;
	[tilespmem:$0x10400] =	vst v63  }
0x77: {  	_ =	swait.ge [sflag:s8], $0x1000  }
0x78: {  	s7 =	rddreg [dreg:$0x8];
	[sflag:s8] =	ssyncset.done $0x0  }
0x79: {  	[sflag:s8] =	ssyncadd.s32 $0xFFFFF000;
	s14 =	sadd.s32 s26, s7;
	s7 =	simm.s32 $0xC400  }
0x7a: {  	[hbm4b:s14+s9] =	stream.linear.scatter [tilespmem:s7], [sflag:$0x2], $0x1000, $0x38;
	[tilespmem:$0x10400] =	vst v63  }
0x7b: {  	_ =	swait.ge [sflag:s8], $0x1000  }
0x7c: {  	s7 =	rddreg [dreg:$0x7];
	[sflag:s8] =	ssyncset.done $0x0  }
0x7d: {  	[sflag:s8] =	ssyncadd.s32 $0xFFFFF000;
	s14 =	sadd.s32 s26, s7;
	s7 =	simm.s32 $0xD400  }
0x7e: {  	[hbm4b:s14+s9] =	stream.linear.scatter [tilespmem:s7], [sflag:$0x2], $0x1000, $0x38;
	[tilespmem:$0x10400] =	vst v63  }
0x7f: {  	_ =	swait.ge [sflag:s8], $0x1000  }
0x80: {  	s7 =	rddreg [dreg:$0x6];
	[sflag:s8] =	ssyncset.done $0x0  }
0x81: {  	[sflag:s8] =	ssyncadd.s32 $0xFFFFF000;
	s14 =	sadd.s32 s26, s7;
	s7 =	simm.s32 $0xE400  }
0x82: {  	[hbm4b:s14+s9] =	stream.linear.scatter [tilespmem:s7], [sflag:$0x2], $0x1000, $0x38;
	[tilespmem:$0x10400] =	vst v63  }
0x83: {  	_ =	swait.ge [sflag:s8], $0x1000  }
0x84: {  	s7 =	rddreg [dreg:$0x5];
	[sflag:s8] =	ssyncset.done $0x0  }
0x85: {  	[sflag:s8] =	ssyncadd.s32 $0xFFFFF000;
	s14 =	sadd.s32 s26, s7;
	s7 =	rddreg [dreg:$0xd]  }
0x86: {  	s26 =	smov.u32 s22;
	s22 =	smov.u32 s7;
	s7 =	simm.s32 $0xF400  }
0x87: {  	[hbm4b:s14+s9] =	stream.linear.scatter [tilespmem:s7], [sflag:$0x2], $0x1000, $0x38;
	[tilespmem:$0x10400] =	vst v63  }
0x88: {  	s25 =	sadd.s32 $0x100, s25;
	_ =	swait.ge [sflag:s8], $0x1000  }
0x89: {  	p0 =	sne.s32 s1, $0x2F8000;
	s10 =	sand.u32 $0x300, s25;
	[sflag:s8] =	ssyncset.done $0x0  }
0x8a: {  	s1 =	sadd.s32 $0x28000, s1;
	s13 =	sor.u32 s10, s13;
	[sflag:s8] =	ssyncadd.s32 $0xFFFFF000  }
0x8b: {  	[tilespmem:s16], [sflag:$0x1] =	stream.indirect.gather [hbm4b:s3+s2], $0x20, s13, s2, $0xb8;
	[tilespmem:$0x10400] =	vst v63  }
0x8c: {  	s28 =	smov.u32 s23;
	s24 =	sadd.s32 $0x1400, s24;
	s23 =	sadd.s32 $0x500, s23  }
0x8d: {  	[tilespmem:s17], [sflag:$0x1] =	stream.indirect.gather [hbm4b:s3+s2], $0x20, s5, s2, $0xb8;
	[tilespmem:$0x10400] =	vst v63  }
0x8e: {  	s11 =	sshrl.u32 s11, $0x2;
	s14 =	sand.u32 $0x7F000, s24;
	s13 =	sadd.s32 $0xFFFFFE00, s24  }
0x8f: {  	[tilespmem:s15], [sflag:$0x1] =	stream.indirect.gather [hbm4b:s3+s2], $0x20, s12, s2, $0xb8;
	[tilespmem:$0x10400] =	vst v63  }
.Ltmp0:
0x90: {  	s16 =	sadd.s32 $0xFFFFFD80, s28;
	s17 =	sadd.s32 $0xFFFFFC00, s24;
	(pc) =	sbr.rel @p0 .LBB2_2-.Ltmp0, $4  }
0x91: {  	[tilespmem:s18], [sflag:$0x1] =	stream.indirect.gather [hbm4b:s3+s2], $0x20, s4, s2, $0xb8;
	[tilespmem:$0x10400] =	vst v63  }
0x92: {  	s5 =	sand.u32 $0x7F000, s13;
	s7 =	sand.u32 $0x7F000, s17;
	s18 =	sand.u32 $0x300, s16  }
0x93: {  	s4 =	sshrl.u32 s5, $0x2;
	s5 =	sshrl.u32 s14, $0x2;
	s11 =	sor.u32 s18, s11  }
0x94: {  	[tilespmem:s19], [sflag:$0x1] =	stream.indirect.gather [hbm4b:s3+s2], $0x20, s11, s2, $0xb8;
	[tilespmem:$0x10400] =	vst v63  }
0x95: {  	s19 =	simm.s32 $0xB400  }
0x96: {  	[tilespmem:s19], [sflag:$0x1] =	stream.indirect.gather [hbm4b:s3+s2], $0x20, s21, s2, $0xb8;
	[tilespmem:$0x10400] =	vst v63  }
0x97: {  	s0 =	sand.u32 $0x380, s0;
	s21 =	simm.s32 $0xC400  }
0x98: {  	[tilespmem:s21], [sflag:$0x1] =	stream.indirect.gather [hbm4b:s3+s2], $0x20, s6, s2, $0xb8;
	[tilespmem:$0x10400] =	vst v63  }
0x99: {  	s0 =	sor.u32 s0, s31;
	s31 =	simm.s32 $0xD400  }
0x9a: {  	[tilespmem:s31], [sflag:$0x1] =	stream.indirect.gather [hbm4b:s3+s2], $0x20, s0, s2, $0xb8;
	[tilespmem:$0x10400] =	vst v63  }
0x9b: {  	s9 =	sand.u32 $0x380, s28;
	s6 =	sor.u32 s10, s30;
	s30 =	simm.s32 $0xE400  }
0x9c: {  	[tilespmem:s30], [sflag:$0x1] =	stream.indirect.gather [hbm4b:s3+s2], $0x20, s6, s2, $0xb8;
	[tilespmem:$0x10400] =	vst v63  }
0x9d: {  	s28 =	simm.s32 $0xF400;
	s0 =	sor.u32 s9, s29  }
0x9e: {  	[tilespmem:s28], [sflag:$0x1] =	stream.indirect.gather [hbm4b:s3+s2], $0x20, s0, s2, $0xb8;
	[tilespmem:$0x10400] =	vst v63  }
0x9f: {  	_ =	swait.ge [sflag:s20], $0x1000  }
0xa0: {  	[sflag:s20] =	ssyncset.done $0x0  }
0xa1: {  	[sflag:s20] =	ssyncadd.s32 $0xFFFFF000  }
0xa2: {  	_ =	swait.ge [sflag:s20], $0x1000  }
0xa3: {  	[sflag:s20] =	ssyncset.done $0x0  }
0xa4: {  	[sflag:s20] =	ssyncadd.s32 $0xFFFFF000  }
0xa5: {  	_ =	swait.ge [sflag:s20], $0x1000  }
0xa6: {  	[sflag:s20] =	ssyncset.done $0x0  }
0xa7: {  	[sflag:s20] =	ssyncadd.s32 $0xFFFFF000  }
0xa8: {  	_ =	swait.ge [sflag:s20], $0x1000  }
0xa9: {  	[sflag:s20] =	ssyncset.done $0x0  }
0xaa: {  	[sflag:s20] =	ssyncadd.s32 $0xFFFFF000  }
0xab: {  	_ =	swait.ge [sflag:s20], $0x1000  }
0xac: {  	[sflag:s20] =	ssyncset.done $0x0  }
0xad: {  	[sflag:s20] =	ssyncadd.s32 $0xFFFFF000  }
0xae: {  	_ =	swait.ge [sflag:s20], $0x1000  }
0xaf: {  	[sflag:s20] =	ssyncset.done $0x0  }
0xb0: {  	[sflag:s20] =	ssyncadd.s32 $0xFFFFF000  }
0xb1: {  	_ =	swait.ge [sflag:s20], $0x1000  }
0xb2: {  	[sflag:s20] =	ssyncset.done $0x0  }
0xb3: {  	[sflag:s20] =	ssyncadd.s32 $0xFFFFF000  }
0xb4: {  	_ =	swait.ge [sflag:s20], $0x1000  }
0xb5: {  	[sflag:s20] =	ssyncset.done $0x0  }
0xb6: {  	[sflag:s20] =	ssyncadd.s32 $0xFFFFF000  }
0xb7: {  	_ =	swait.ge [sflag:s20], $0x1000  }
0xb8: {  	[sflag:s20] =	ssyncset.done $0x0  }
0xb9: {  	[sflag:s20] =	ssyncadd.s32 $0xFFFFF000  }
0xba: {  	_ =	swait.ge [sflag:s20], $0x1000  }
0xbb: {  	s9 =	simm.s32 $0x0;
	s10 =	rddreg [dreg:$0x3];
	[sflag:s20] =	ssyncset.done $0x0  }
0xbc: {  	[sflag:s20] =	ssyncadd.s32 $0xFFFFF000;
	s0 =	sadd.s32 s26, s10;
	s10 =	simm.s32 $0x6400  }
0xbd: {  	[hbm4b:s0+s9] =	stream.linear.scatter [tilespmem:s10], [sflag:$0x2], $0x1000, $0x38;
	[tilespmem:$0x10400] =	vst v63  }
0xbe: {  	_ =	swait.ge [sflag:s8], $0x1000  }
0xbf: {  	s11 =	rddreg [dreg:$0x4];
	[sflag:s8] =	ssyncset.done $0x0  }
0xc0: {  	[sflag:s8] =	ssyncadd.s32 $0xFFFFF000;
	s0 =	sadd.s32 s26, s11;
	s11 =	simm.s32 $0x7400  }
0xc1: {  	[hbm4b:s0+s9] =	stream.linear.scatter [tilespmem:s11], [sflag:$0x2], $0x1000, $0x38;
	[tilespmem:$0x10400] =	vst v63  }
0xc2: {  	_ =	swait.ge [sflag:s8], $0x1000  }
0xc3: {  	s12 =	rddreg [dreg:$0xc];
	[sflag:s8] =	ssyncset.done $0x0  }
0xc4: {  	[sflag:s8] =	ssyncadd.s32 $0xFFFFF000;
	s0 =	sadd.s32 s26, s12;
	s12 =	simm.s32 $0x8400  }
0xc5: {  	[hbm4b:s0+s9] =	stream.linear.scatter [tilespmem:s12], [sflag:$0x2], $0x1000, $0x38;
	[tilespmem:$0x10400] =	vst v63  }
0xc6: {  	_ =	swait.ge [sflag:s8], $0x1000  }
0xc7: {  	s13 =	rddreg [dreg:$0xb];
	[sflag:s8] =	ssyncset.done $0x0  }
0xc8: {  	[sflag:s8] =	ssyncadd.s32 $0xFFFFF000;
	s0 =	sadd.s32 s26, s13;
	s13 =	simm.s32 $0x9400  }
0xc9: {  	[hbm4b:s0+s9] =	stream.linear.scatter [tilespmem:s13], [sflag:$0x2], $0x1000, $0x38;
	[tilespmem:$0x10400] =	vst v63  }
0xca: {  	_ =	swait.ge [sflag:s8], $0x1000  }
0xcb: {  	s14 =	rddreg [dreg:$0xa];
	[sflag:s8] =	ssyncset.done $0x0  }
0xcc: {  	s18 =	simm.s32 $0xA400;
	[sflag:s8] =	ssyncadd.s32 $0xFFFFF000;
	s0 =	sadd.s32 s26, s14  }
0xcd: {  	[hbm4b:s0+s9] =	stream.linear.scatter [tilespmem:s18], [sflag:$0x2], $0x1000, $0x38;
	[tilespmem:$0x10400] =	vst v63  }
0xce: {  	_ =	swait.ge [sflag:s8], $0x1000  }
0xcf: {  	s15 =	rddreg [dreg:$0x9];
	[sflag:s8] =	ssyncset.done $0x0  }
0xd0: {  	[sflag:s8] =	ssyncadd.s32 $0xFFFFF000;
	s0 =	sadd.s32 s26, s15  }
0xd1: {  	[hbm4b:s0+s9] =	stream.linear.scatter [tilespmem:s19], [sflag:$0x2], $0x1000, $0x38;
	[tilespmem:$0x10400] =	vst v63  }
0xd2: {  	_ =	swait.ge [sflag:s8], $0x1000  }
0xd3: {  	s16 =	rddreg [dreg:$0x8];
	[sflag:s8] =	ssyncset.done $0x0  }
0xd4: {  	[sflag:s8] =	ssyncadd.s32 $0xFFFFF000;
	s0 =	sadd.s32 s26, s16  }
0xd5: {  	[hbm4b:s0+s9] =	stream.linear.scatter [tilespmem:s21], [sflag:$0x2], $0x1000, $0x38;
	[tilespmem:$0x10400] =	vst v63  }
0xd6: {  	_ =	swait.ge [sflag:s8], $0x1000  }
0xd7: {  	s17 =	rddreg [dreg:$0x7];
	[sflag:s8] =	ssyncset.done $0x0  }
0xd8: {  	[sflag:s8] =	ssyncadd.s32 $0xFFFFF000;
	s0 =	sadd.s32 s26, s17  }
0xd9: {  	[hbm4b:s0+s9] =	stream.linear.scatter [tilespmem:s31], [sflag:$0x2], $0x1000, $0x38;
	[tilespmem:$0x10400] =	vst v63  }
0xda: {  	_ =	swait.ge [sflag:s8], $0x1000  }
0xdb: {  	s29 =	rddreg [dreg:$0x6];
	[sflag:s8] =	ssyncset.done $0x0  }
0xdc: {  	[sflag:s8] =	ssyncadd.s32 $0xFFFFF000;
	s0 =	sadd.s32 s26, s29  }
0xdd: {  	[hbm4b:s0+s9] =	stream.linear.scatter [tilespmem:s30], [sflag:$0x2], $0x1000, $0x38;
	[tilespmem:$0x10400] =	vst v63  }
0xde: {  	s6 =	sadd.s32 $0x100, s25;
	_ =	swait.ge [sflag:s8], $0x1000  }
0xdf: {  	s15 =	sadd.s32 $0xFFFFFC00, s23;
	s1 =	rddreg [dreg:$0x5];
	[sflag:s8] =	ssyncset.done $0x0  }
0xe0: {  	s0 =	sadd.s32 s26, s1;
	s1 =	sadd.s32 $0xFFFFEE00, s24;
	[sflag:s8] =	ssyncadd.s32 $0xFFFFF000  }
0xe1: {  	[hbm4b:s0+s9] =	stream.linear.scatter [tilespmem:s28], [sflag:$0x2], $0x1000, $0x38;
	[tilespmem:$0x10400] =	vst v63  }
0xe2: {  	s16 =	sadd.s32 $0xFFFFF200, s24;
	s1 =	sand.u32 $0x3F000, s1;
	_ =	swait.ge [sflag:s8], $0x1000  }
0xe3: {  	s0 =	sand.u32 $0x300, s6;
	s1 =	sshrl.u32 s1, $0x2;
	[sflag:s8] =	ssyncset.done $0x0  }
0xe4: {  	s6 =	sand.u32 $0x380, s15;
	s14 =	sor.u32 s0, s1;
	[sflag:s8] =	ssyncadd.s32 $0xFFFFF000  }
0xe5: {  	[tilespmem:s10], [sflag:$0x1] =	stream.indirect.gather [hbm4b:s3+s2], $0x20, s14, s2, $0xb8;
	[tilespmem:$0x10400] =	vst v63  }
0xe6: {  	s17 =	sadd.s32 $0xFFFFFC80, s23;
	s1 =	sor.u32 s6, s1;
	s6 =	sand.u32 $0x7F000, s16  }
0xe7: {  	[tilespmem:s11], [sflag:$0x1] =	stream.indirect.gather [hbm4b:s3+s2], $0x20, s1, s2, $0xb8;
	[tilespmem:$0x10400] =	vst v63  }
0xe8: {  	s25 =	sadd.s32 $0xFFFFF400, s24;
	s6 =	sshrl.u32 s6, $0x2;
	s1 =	sand.u32 $0x300, s17  }
0xe9: {  	s26 =	sadd.s32 $0xFFFFFD00, s23;
	s1 =	sor.u32 s1, s6;
	s6 =	sand.u32 $0x7F000, s25  }
0xea: {  	[tilespmem:s12], [sflag:$0x1] =	stream.indirect.gather [hbm4b:s3+s2], $0x20, s1, s2, $0xb8;
	[tilespmem:$0x10400] =	vst v63  }
0xeb: {  	s29 =	sadd.s32 $0xFFFFF600, s24;
	s1 =	sand.u32 $0x380, s26;
	s6 =	sshrl.u32 s6, $0x2  }
0xec: {  	s15 =	sadd.s32 $0xFFFFFD80, s23;
	s14 =	sand.u32 $0x7F000, s29;
	s1 =	sor.u32 s1, s6  }
0xed: {  	[tilespmem:s13], [sflag:$0x1] =	stream.indirect.gather [hbm4b:s3+s2], $0x20, s1, s2, $0xb8;
	[tilespmem:$0x10400] =	vst v63  }
0xee: {  	s16 =	sadd.s32 $0xFFFFF800, s24;
	s6 =	sand.u32 $0x300, s15;
	s1 =	sshrl.u32 s14, $0x2  }
0xef: {  	s17 =	sadd.s32 $0xFFFFFE00, s23;
	s1 =	sor.u32 s6, s1;
	s6 =	sand.u32 $0x7F000, s16  }
0xf0: {  	[tilespmem:s18], [sflag:$0x1] =	stream.indirect.gather [hbm4b:s3+s2], $0x20, s1, s2, $0xb8;
	[tilespmem:$0x10400] =	vst v63  }
0xf1: {  	s24 =	sadd.s32 $0xFFFFFA00, s24;
	s1 =	sand.u32 $0x380, s17;
	s6 =	sshrl.u32 s6, $0x2  }
0xf2: {  	s25 =	sadd.s32 $0xFFFFFE80, s23;
	s1 =	sor.u32 s1, s6;
	s6 =	sand.u32 $0x7F000, s24  }
0xf3: {  	[tilespmem:s19], [sflag:$0x1] =	stream.indirect.gather [hbm4b:s3+s2], $0x20, s1, s2, $0xb8;
	[tilespmem:$0x10400] =	vst v63  }
0xf4: {  	s1 =	sand.u32 $0x300, s25;
	s6 =	sshrl.u32 s6, $0x2  }
0xf5: {  	s26 =	sadd.s32 $0xFFFFFF00, s23;
	s1 =	sor.u32 s1, s6  }
0xf6: {  	[tilespmem:s21], [sflag:$0x1] =	stream.indirect.gather [hbm4b:s3+s2], $0x20, s1, s2, $0xb8;
	[tilespmem:$0x10400] =	vst v63  }
0xf7: {  	s29 =	sshrl.u32 s7, $0x2;
	s1 =	sand.u32 $0x380, s26  }
0xf8: {  	s1 =	sor.u32 s1, s29  }
0xf9: {  	[tilespmem:s31], [sflag:$0x1] =	stream.indirect.gather [hbm4b:s3+s2], $0x20, s1, s2, $0xb8;
	[tilespmem:$0x10400] =	vst v63  }
0xfa: {  	s0 =	sor.u32 s0, s4;
	s6 =	sand.u32 $0x380, s23  }
0xfb: {  	[tilespmem:s30], [sflag:$0x1] =	stream.indirect.gather [hbm4b:s3+s2], $0x20, s0, s2, $0xb8;
	[tilespmem:$0x10400] =	vst v63  }
0xfc: {  	s0 =	sor.u32 s6, s5  }
0xfd: {  	[tilespmem:s28], [sflag:$0x1] =	stream.indirect.gather [hbm4b:s3+s2], $0x20, s0, s2, $0xb8;
	[tilespmem:$0x10400] =	vst v63  }
0xfe: {  	_ =	swait.ge [sflag:s20], $0x1000  }
0xff: {  	[sflag:s20] =	ssyncset.done $0x0  }
0x100: {  	[sflag:s20] =	ssyncadd.s32 $0xFFFFF000  }
0x101: {  	_ =	swait.ge [sflag:s20], $0x1000  }
0x102: {  	[sflag:s20] =	ssyncset.done $0x0  }
0x103: {  	[sflag:s20] =	ssyncadd.s32 $0xFFFFF000  }
0x104: {  	_ =	swait.ge [sflag:s20], $0x1000  }
0x105: {  	[sflag:s20] =	ssyncset.done $0x0  }
0x106: {  	[sflag:s20] =	ssyncadd.s32 $0xFFFFF000  }
0x107: {  	_ =	swait.ge [sflag:s20], $0x1000  }
0x108: {  	[sflag:s20] =	ssyncset.done $0x0  }
0x109: {  	[sflag:s20] =	ssyncadd.s32 $0xFFFFF000  }
0x10a: {  	_ =	swait.ge [sflag:s20], $0x1000  }
0x10b: {  	[sflag:s20] =	ssyncset.done $0x0  }
0x10c: {  	[sflag:s20] =	ssyncadd.s32 $0xFFFFF000  }
0x10d: {  	_ =	swait.ge [sflag:s20], $0x1000  }
0x10e: {  	[sflag:s20] =	ssyncset.done $0x0  }
0x10f: {  	[sflag:s20] =	ssyncadd.s32 $0xFFFFF000  }
0x110: {  	_ =	swait.ge [sflag:s20], $0x1000  }
0x111: {  	[sflag:s20] =	ssyncset.done $0x0  }
0x112: {  	[sflag:s20] =	ssyncadd.s32 $0xFFFFF000  }
0x113: {  	_ =	swait.ge [sflag:s20], $0x1000  }
0x114: {  	[sflag:s20] =	ssyncset.done $0x0  }
0x115: {  	[sflag:s20] =	ssyncadd.s32 $0xFFFFF000  }
0x116: {  	_ =	swait.ge [sflag:s20], $0x1000  }
0x117: {  	[sflag:s20] =	ssyncset.done $0x0  }
0x118: {  	[sflag:s20] =	ssyncadd.s32 $0xFFFFF000  }
0x119: {  	_ =	swait.ge [sflag:s20], $0x1000  }
0x11a: {  	s7 =	rddreg [dreg:$0x3];
	[sflag:s20] =	ssyncset.done $0x0  }
0x11b: {  	[sflag:s20] =	ssyncadd.s32 $0xFFFFF000;
	s0 =	sadd.s32 s22, s7  }
0x11c: {  	[hbm4b:s0+s9] =	stream.linear.scatter [tilespmem:s10], [sflag:$0x2], $0x1000, $0x38;
	[tilespmem:$0x10400] =	vst v63  }
0x11d: {  	_ =	swait.ge [sflag:s8], $0x1000  }
0x11e: {  	s10 =	rddreg [dreg:$0x4];
	[sflag:s8] =	ssyncset.done $0x0  }
0x11f: {  	[sflag:s8] =	ssyncadd.s32 $0xFFFFF000;
	s0 =	sadd.s32 s22, s10  }
0x120: {  	[hbm4b:s0+s9] =	stream.linear.scatter [tilespmem:s11], [sflag:$0x2], $0x1000, $0x38;
	[tilespmem:$0x10400] =	vst v63  }
0x121: {  	_ =	swait.ge [sflag:s8], $0x1000  }
0x122: {  	s11 =	rddreg [dreg:$0xc];
	[sflag:s8] =	ssyncset.done $0x0  }
0x123: {  	[sflag:s8] =	ssyncadd.s32 $0xFFFFF000;
	s0 =	sadd.s32 s22, s11  }
0x124: {  	[hbm4b:s0+s9] =	stream.linear.scatter [tilespmem:s12], [sflag:$0x2], $0x1000, $0x38;
	[tilespmem:$0x10400] =	vst v63  }
0x125: {  	_ =	swait.ge [sflag:s8], $0x1000  }
0x126: {  	s12 =	rddreg [dreg:$0xb];
	[sflag:s8] =	ssyncset.done $0x0  }
0x127: {  	[sflag:s8] =	ssyncadd.s32 $0xFFFFF000;
	s0 =	sadd.s32 s22, s12  }
0x128: {  	[hbm4b:s0+s9] =	stream.linear.scatter [tilespmem:s13], [sflag:$0x2], $0x1000, $0x38;
	[tilespmem:$0x10400] =	vst v63  }
0x129: {  	_ =	swait.ge [sflag:s8], $0x1000  }
0x12a: {  	s13 =	rddreg [dreg:$0xa];
	[sflag:s8] =	ssyncset.done $0x0  }
0x12b: {  	[sflag:s8] =	ssyncadd.s32 $0xFFFFF000;
	s0 =	sadd.s32 s22, s13  }
0x12c: {  	[hbm4b:s0+s9] =	stream.linear.scatter [tilespmem:s18], [sflag:$0x2], $0x1000, $0x38;
	[tilespmem:$0x10400] =	vst v63  }
0x12d: {  	_ =	swait.ge [sflag:s8], $0x1000  }
0x12e: {  	s18 =	rddreg [dreg:$0x9];
	[sflag:s8] =	ssyncset.done $0x0  }
0x12f: {  	[sflag:s8] =	ssyncadd.s32 $0xFFFFF000;
	s0 =	sadd.s32 s22, s18  }
0x130: {  	[hbm4b:s0+s9] =	stream.linear.scatter [tilespmem:s19], [sflag:$0x2], $0x1000, $0x38;
	[tilespmem:$0x10400] =	vst v63  }
0x131: {  	_ =	swait.ge [sflag:s8], $0x1000  }
0x132: {  	s23 =	rddreg [dreg:$0x8];
	[sflag:s8] =	ssyncset.done $0x0  }
0x133: {  	[sflag:s8] =	ssyncadd.s32 $0xFFFFF000;
	s0 =	sadd.s32 s22, s23  }
0x134: {  	[hbm4b:s0+s9] =	stream.linear.scatter [tilespmem:s21], [sflag:$0x2], $0x1000, $0x38;
	[tilespmem:$0x10400] =	vst v63  }
0x135: {  	_ =	swait.ge [sflag:s8], $0x1000  }
0x136: {  	s24 =	rddreg [dreg:$0x7];
	[sflag:s8] =	ssyncset.done $0x0  }
0x137: {  	[sflag:s8] =	ssyncadd.s32 $0xFFFFF000;
	s0 =	sadd.s32 s22, s24  }
0x138: {  	[hbm4b:s0+s9] =	stream.linear.scatter [tilespmem:s31], [sflag:$0x2], $0x1000, $0x38;
	[tilespmem:$0x10400] =	vst v63  }
0x139: {  	_ =	swait.ge [sflag:s8], $0x1000  }
0x13a: {  	s26 =	rddreg [dreg:$0x6];
	[sflag:s8] =	ssyncset.done $0x0  }
0x13b: {  	[sflag:s8] =	ssyncadd.s32 $0xFFFFF000;
	s0 =	sadd.s32 s22, s26  }
0x13c: {  	[hbm4b:s0+s9] =	stream.linear.scatter [tilespmem:s30], [sflag:$0x2], $0x1000, $0x38;
	[tilespmem:$0x10400] =	vst v63  }
0x13d: {  	_ =	swait.ge [sflag:s8], $0x1000  }
0x13e: {  	s29 =	rddreg [dreg:$0x5];
	[sflag:s8] =	ssyncset.done $0x0  }
0x13f: {  	s0 =	sadd.s32 s22, s29;
	[sflag:s8] =	ssyncadd.s32 $0xFFFFF000  }
0x140: {  	[hbm4b:s0+s9] =	stream.linear.scatter [tilespmem:s28], [sflag:$0x2], $0x1000, $0x38;
	[tilespmem:$0x10400] =	vst v63  }
0x141: {  	_ =	swait.ge [sflag:s8], $0x1000  }
0x142: {  	s30 =	rddreg [dreg:$0x10]  }
0x143: {  	s31 =	rddreg [dreg:$0xf];
	s1 =	sadd.s32 $0x1, s30  }
0x144: {  	p0 =	sne.s32 s1, s31  }
.Ltmp1:
0x145: {  	_ = 	snop;
	(pc) =	sbr.rel @p0 .LBB2_1-.Ltmp1, $4  }
0x146: {  	_ = 	snop  }
0x147: {  	s15 =	simm.s32 $0x7400  }
0x148: {  	s14 =	simm.s32 $0x6400;
	s16 =	simm.s32 $0x8400;
	[sflag:s8] =	ssyncset.done $0x0  }
0x149: {  	s17 =	simm.s32 $0x9400;
	s25 =	simm.s32 $0xA400;
	[sflag:s8] =	ssyncadd.s32 $0xFFFFF000  }
0x14a: {  	_ =	sfence.sel $0x180000  }
0x14b: {  	[bflag:$0x0] =	sbarrier.arrive $0xFFFF  }
0x14c: {  	_ =	strace $0x90000047  }
0x14d: {  	s0 =	stileid.u32;
	[bflag:$0x2] =	sbarrier.arrive $0xFFFF  }
0x14e: {  	p0 =	sne.s32 s0, $0x0;
	s0 =	rddreg [dreg:$0x2]  }
0x14f: {  	s0 =	sadd.s32 @!p0 $0x100000, s0  }
0x150: {  	[sflag:s0] =	ssyncadd.tile.s32 @!p0 $0x1;
	_ =	shalt  }
.Lfunc_end2:
_tile_overlayer_lowered:
.L_overlay_start_2:
0x151: {  	(tag) =	ssettag $0x2  }
0x152: {  	s0 =	rddreg [dreg:$0x0];
	s2 =	stileid.u32  }
0x153: {  	s1 =	rddreg [dreg:$0x1];
	p0 =	sne.s32 s2, $0x0  }
0x154: {  	s3 =	rddreg [dreg:$0x2];
	[bflag:$0x3] =	sbarrier.arrive $0xFFFF;
	s2 =	simm.s32 @!p0 $0x1C02  }
0x155: {  	[timem:s3], [sflag:s2] =	dma.local @!p0 [hbm:s0], s1  }
0x156: {  	s0 =	simm.s32 @!p0 $0x2  }
0x157: {  	_ =	swait.ge @!p0 [sflag:s0], s1  }
0x158: {  	s1 =	ssub.s32 @!p0 $0x0, s1;
	[sflag:s0] =	ssyncset.done @!p0 $0x0  }
0x159: {  	[sflag:s0] =	ssyncadd.s32 @!p0 s1  }
0x15a: {  	[bflag:$0x3] =	sbarrier.arrive $0xFFFF  }
0x15b: {  	_ =	shalt  }

// kernel: sparse-core-data-format-call.cloned.1.call-start
scs
called_computation_lowered:
.L_overlay_start_0:
0x0: {  	s2 =	sld [smem:$0x3FD9]  }
0x1: {  	s3 =	sld [smem:$0x3FFE];
	_ =	sdelay $0x1  }
0x2: {  	s1 =	srdreg.scid  }
0x3: {  	s0 =	sand.u32 $0x1, s1  }
0x4: {  	s18 =	sshll.u32 s0, $0xA;
	s2 =	sadd.s32 s3, s2  }
0x5: {  	s2 =	sadd.s32 s2, s18  }
0x6: {  	[smem:$0x3FC6] =	sst s2  }
0x7: {  	_ = 	snop  }
0x8: {  	s2 =	sld [smem:$0x3FD0];
	(tm) =	ssettm $0x1  }
0x9: {  	s19 =	sld [smem:$0x3FFB];
	_ =	sdelay $0x3  }
0xa: {  	_ =	strace s19  }
0xb: {  	s3 =	sld [smem:$0x3FFC];
	_ =	sdelay $0x3  }
0xc: {  	_ =	strace s3  }
0xd: {  	s3 =	sld [smem:$0x3FFD];
	_ =	sdelay $0x3  }
0xe: {  	_ =	strace s3  }
0xf: {  	_ =	strace $0x8FFFFFFF  }
0x10: {  	s20 =	sld [smem:$0x3FDB];
	_ =	sdelay $0x1  }
0x11: {  	s4 =	simm.s32 $_scs_section_size  }
0x12: {  	s5 =	simm.s32 $_size__tile_overlayer_lowered;
	s6 =	simm.s32 $_tile_overlayer_lowered  }
0x13: {  	s23 =	simm.s32 $0x1BFF;
	s22 =	sshll.u32 s6, $0x1;
	s3 =	sadd.s32 s4, s20  }
0x14: {  	s7 =	simm.s32 $0x0;
	s21 =	sshll.u32 s5, $0x1;
	s5 =	sadd.s32 s22, s3  }
0x15: {  	[timem:s7], [sflag:s23] =	dma.local [hbm:s5], s21  }
0x16: {  	_ =	swait.ge [sflag:s23], s21  }
0x17: {  	s4 =	ssub.s32 $0x0, s21;
	[sflag:s23] =	ssyncset.done $0x0  }
0x18: {  	[sflag:s23] =	ssyncadd.s32 s4;
	_ =	sdelay $0x1  }
0x19: {  	s24 =	simm.s32 $0x1B8B  }
0x1a: {  	_ =	swait.ge [sflag:s24], $0x1  }
0x1b: {  	[sflag:s24] =	ssyncset.done $0x0  }
0x1c: {  	s26 =	simm.s32 $0x1B8E;
	s25 =	sld [smem:$0x3FFE];
	[sflag:s24] =	ssyncadd.s32 $0xFFFFFFFF  }
0x1d: {  	s27 =	simm.s32 $execute0_lowered;
	[smem:$0x3FD2] =	sst s26  }
0x1e: {  	s5 =	sshll.u32 s27, $0x1;
	_ =	strace $0x80000049;
	[dreg:$0x1] =	wrdreg $0xFFFFFFFF  }
0x1f: {  	s28 =	simm.s32 $_size_execute0_lowered;
	s3 =	sadd.s32 s3, s5;
	[dreg:$0x0] =	wrdreg $0x0  }
0x20: {  	s5 =	sshll.u32 s28, $0x1;
	[dreg:$0x2] =	wrdreg s3  }
0x21: {  	[dreg:$0x3] =	wrdreg s5  }
0x22: {  	[dreg:$0x4] =	wrdreg $0xC0  }
0x23: {  	_ =	task [dreg:s7], $0x5FFFF  }
0x24: {  	[dreg:$0x1] =	wrdreg $0xFFFFFFFF  }
0x25: {  	[dreg:$0x0] =	wrdreg $0x60  }
0x26: {  	[dreg:$0x2] =	wrdreg s25  }
0x27: {  	[dreg:$0x3] =	wrdreg s2  }
0x28: {  	[dreg:$0x4] =	wrdreg $0x9  }
0x29: {  	_ =	task.clear_ibuf [dreg:s7], $0x5FFFF;
	_ =	strace $0x90000049  }
0x2a: {  	s29 =	simm.s32 $0x9;
	_ =	strace $0x8000004B  }
0x2b: {  	_ =	swait.ge [sflag:s29], $0x1  }
0x2c: {  	[sflag:s29] =	ssyncadd.s32 $0xFFFFFFFF  }
0x2d: {  	_ =	strace $0x9000004B  }
0x2e: {  	_ =	sfence  }
0x2f: {  	s30 =	sld [smem:$0x0];
	_ =	sdelay $0x2  }
0x30: {  	s31 =	sshll.u32 s1, $0xD;
	s1 =	sshrl.u32 s1, $0x2  }
0x31: {  	s3 =	sand.u32 $0x4000, s31;
	s1 =	sadd.s32 s1, s30  }
0x32: {  	s0 =	sor.u32 s3, s0;
	s1 =	sshll.u32 s1, $0x11  }
0x33: {  	s0 =	sor.u32 s1, s0  }
0x34: {  	s0 =	sadd.s32 $0x8F2B, s0  }
0x35: {  	[sflag:s0] =	ssyncadd.remote.s32 $0x1  }
0x36: {  	_ =	sfence.sel $0xFFFF  }
0x37: {  	[dreg:$0x0] =	wrdreg $0xFFFFFFFF;
	(pc) =	sbr.abs _section_cstart, $3  }
0x38: {  	[dreg:$0x1] =	wrdreg $0xFFFFFFFF  }
0x39: {  	_ =	task.clear_ibuf [dreg:s7], $0x2FFFF;
	_ =	strace $0x9FFFFFFF  }
0x3a: {  	(tm) =	ssettm $0x7FFFFFFF  }
0x3b: {  	_ =	shalt  }
tec
execute0_lowered:
.L_overlay_start_1:
0x0: {  	(tag) =	ssettag $0x1  }
0x1: {  	s0 =	srdreg.scid;
	s5 =	rddreg [dreg:$0x0]  }
0x2: {  	s2 =	rddreg [dreg:$0x1];
	s1 =	sshll.u32 s0, $0x4  }
0x3: {  	s9 =	simm.s32 $0x2;
	s0 =	stileid.u32;
	s1 =	sand.u32 $0x10, s1  }
0x4: {  	s15 =	simm.s32 $0x0;
	s11 =	simm.s32 $0x400;
	s4 =	sor.u32 s0, s1  }
0x5: {  	s12 =	simm.s32 $0x8000;
	s16 =	simm.s32 $0x0;
	s3 =	sshll.u32 s4, $0x7  }
0x6: {  	s13 =	simm.s32 $0x0;
	s1 =	rddreg [dreg:$0x2];
	s6 =	ssub.s32 $0x1000, s3  }
0x7: {  	_ =	strace $0x8000004A;
	s8 =	sshll.u32 s4, $0xB;
	s7 =	sand.u32 $0xF80, s6  }
0x8: {  	s4 =	simm.s32 $0x1;
	p0 =	sne.s32 s7, $0x0;
	s7 =	simm.s32 $0x1  }
.Ltmp0:
0x9: {  	s6 =	sshrl.u32 s6, $0xC;
	s7 =	simm.s32 @!p0 $0x0;
	(pc) =	sbr.rel .LBB1_1-.Ltmp0, $4  }
0xa: {  	s14 =	simm.s32 $0x0;
	[sflag:s4] =	ssyncpa.u1 $0x0;
	s6 =	sadd.s32 s7, s6  }
0xb: {  	s10 =	sadd.s32 s8, s5;
	[sflag:s9] =	ssyncpa.u1 $0x0;
	s5 =	smul.u32 $0x32, s6  }
0xc: {  	s8 =	sadd.s32 $0x20A00, s10;
	s9 =	sadd.s32 $0x30A00, s10;
	p0 =	por $0x0, $0x0  }
0xd: {  	s7 =	sadd.s32 $0x10A00, s10;
	s6 =	sadd.s32 $0xA00, s10;
	s10 =	sor.u32 $0x1, s5  }
.LBB1_7:
0xe: {  	s17 =	sadd.s32 $0x4, s13  }
0xf: {  	p2 =	sgt.s32 s17, $0xC7  }
0x10: {  	s17 =	simm.s32 @p2 $0x0;
	p2 =	sne.s32 s14, s10  }
.Ltmp1:
0x11: {  	p1 =	slt.u32 s14, $0x2;
	(pc) =	sbr.rel @!p2 .LBB1_8-.Ltmp1, $4  }
0x12: {  	s15 =	simm.s32 @!p1 $0x2  }
0x13: {  	s18 =	sadd.s32 $0x1, s14;
	s16 =	smov.u32 s13;
	_ =	swait.ge @!p1 [sflag:s15], $0x4000  }
0x14: {  	p0 =	por !p0, !p0;
	s14 =	smov.u32 s18;
	[sflag:s15] =	ssyncset.done @!p1 $0x0  }
0x15: {  	s13 =	smov.u32 s17;
	[sflag:s15] =	ssyncadd.s32 @!p1 $0xFFFFC000;
	s15 =	smov.u32 s3  }
.LBB1_1:
0x16: {  	p1 =	sge.u32 s14, s5  }
0x17: {  	s17 =	sxor.u32 @!p1 $0xFFFFFFFF, s14  }
0x18: {  	s18 =	sshll.u32 @!p1 s13, $0x10;
	s20 =	simm.s32 @!p1 $0x20;
	s17 =	sshll.u32 @!p1 s17, $0xE  }
0x19: {  	s21 =	simm.s32 @!p1 $0x80;
	s19 =	sadd.s32 @!p1 s18, s6;
	s17 =	sand.u32 @!p1 $0x4000, s17  }
0x1a: {  	[tilespmem:s17], [sflag:$0x1] =	stream.strided.gather @!p1 [hbm4b:s19+s20], $0x1000, s21, s20, $0x38;
	[tilespmem:$0x10100] =	vst v63  }
0x1b: {  	s19 =	sadd.s32 @!p1 s18, s7;
	s22 =	sor.u32 @!p1 $0x1000, s17  }
0x1c: {  	[tilespmem:s22], [sflag:$0x1] =	stream.strided.gather @!p1 [hbm4b:s19+s20], $0x1000, s21, s20, $0x38;
	[tilespmem:$0x10100] =	vst v63  }
0x1d: {  	s19 =	sadd.s32 @!p1 s18, s8;
	s22 =	sor.u32 @!p1 $0x2000, s17  }
0x1e: {  	[tilespmem:s22], [sflag:$0x1] =	stream.strided.gather @!p1 [hbm4b:s19+s20], $0x1000, s21, s20, $0x38;
	[tilespmem:$0x10100] =	vst v63  }
0x1f: {  	s31 =	sadd.s32 $0xFFFFFFFF, s14;
	s18 =	sadd.s32 @!p1 s18, s9;
	s17 =	sor.u32 @!p1 $0x3000, s17  }
0x20: {  	[tilespmem:s17], [sflag:$0x1] =	stream.strided.gather @!p1 [hbm4b:s18+s20], $0x1000, s21, s20, $0x38;
	[tilespmem:$0x10100] =	vst v63  }
0x21: {  	p1 =	sge.u32 s31, s5  }
.Ltmp2:
0x22: {  	_ = 	snop;
	(pc) =	sbr.rel @p1 .LBB1_7-.Ltmp2, $1  }
0x23: {  	_ =	sdelay $0x3  }
0x24: {  	s18 =	simm.s32 $0x1;
	s19 =	sand.u32 $0x1, s14  }
0x25: {  	_ =	swait.ge [sflag:s4], $0x4000;
	s18 =	simm.s32 @!p0 $0x0;
	s20 =	smul.u32 $0x10200, s19  }
0x26: {  	[sflag:s4] =	ssyncset.done $0x0;
	s17 =	smul.u32 $0x10200, s18  }
0x27: {  	s18 =	sshll.u32 s18, $0xE;
	[sflag:s4] =	ssyncadd.s32 $0xFFFFC000  }
0x28: {  	s19 =	sor.u32 $0x10, s18;
	s31 =	sshrl.u32 s20, $0x2;
	s17 =	sshrl.u32 s17, $0x2  }
0x29: {  	s20 =	simm.s32 $0x0;
	s18 =	sor.u32 $0x8000, s31;
	s17 =	sor.u32 $0x8000, s17  }
.LBB1_3:
0x2a: {  	v1 =	vld [tilespmem:s19+$0x0]  }
0x2b: {  	v0 =	vld [tilespmem:s19+$0xFFFFFFF0];
	_ =	sdelay $0x2  }
0x2c: {  	s23 =	sadd.s32 $0x0, s17  }
0x2d: {  	s21 =	simm.s32 $0x4;
	s22 =	sadd.s32 $0x20, s19;
	[tilespmem:s23+$0x810 ss:$0x81] =	vst.msk $0xffff, v1  }
.LBB1_4:
0x2e: {  	v1 =	vld [tilespmem:s22+$0x0];
	p1 =	sne.s32 s21, $0x1FC;
	[tilespmem:s23+$0x0 ss:$0x81] =	vst.msk $0xffff, v0;
	s23 =	smov.u32 s21;
	s21 =	sadd.s32 $0x4, s21  }
.Ltmp3:
0x2f: {  	v0 =	vld [tilespmem:s22+$0xFFFFFFF0];
	(pc) =	sbr.rel @p1 .LBB1_4-.Ltmp3, $4  }
0x30: {  	_ = 	snop  }
0x31: {  	s23 =	sshra.s32 s23, $0x2  }
0x32: {  	s23 =	sadd.s32 s23, s17  }
0x33: {  	s22 =	sadd.s32 $0x20, s22;
	[tilespmem:s23+$0x810 ss:$0x81] =	vst.msk $0xffff, v1  }
0x34: {  	s20 =	sadd.s32 $0x1, s20  }
0x35: {  	p1 =	sne.s32 s20, $0x4  }
.Ltmp4:
0x36: {  	_ = 	snop;
	(pc) =	sbr.rel @p1 .LBB1_3-.Ltmp4, $2  }
0x37: {  	_ =	sdelay $0x2  }
0x38: {  	[tilespmem:s23+$0x0 ss:$0x81] =	vst.msk $0xffff, v0;
	s17 =	sadd.s32 $0x1020, s17;
	s19 =	sadd.s32 $0x1000, s19  }
.Ltmp5:
0x39: {  	(pc) =	sbr.rel .LBB1_7-.Ltmp5, $4  }
0x3a: {  	s16 =	sshll.u32 s16, $0xE  }
0x3b: {  	s16 =	sadd.s32 s2, s16  }
0x3c: {  	s15 =	sadd.s32 s15, s16  }
0x3d: {  	[hbm4b:s15+s11] =	stream.strided.scatter [tilespmem:s18], [sflag:$0x2], $0x4000, s12, s11, $0x20;
	[tilespmem:$0x10100] =	vst v63  }
.LBB1_8:
0x3e: {  	_ =	sfence.sel $0x180000  }
0x3f: {  	s2 =	simm.s32 $0x1;
	[bflag:$0x0] =	sbarrier.arrive $0xFFFF  }
0x40: {  	s31 =	simm.s32 $0x2;
	[sflag:s2] =	ssyncpa.u1 $0x1  }
0x41: {  	[sflag:s31] =	ssyncpa.u1 $0x1  }
0x42: {  	p0 =	sne.s32 s0, $0x0;
	_ =	strace $0x9000004A  }
0x43: {  	s0 =	sadd.s32 @!p0 $0x100000, s1;
	[bflag:$0x2] =	sbarrier.arrive $0xFFFF  }
0x44: {  	[sflag:s0] =	ssyncadd.tile.s32 @!p0 $0x1;
	_ =	shalt  }
.Lfunc_end1:
_tile_overlayer_lowered:
.L_overlay_start_2:
0x45: {  	(tag) =	ssettag $0x2  }
0x46: {  	s0 =	rddreg [dreg:$0x0];
	s2 =	stileid.u32  }
0x47: {  	s1 =	rddreg [dreg:$0x1];
	p0 =	sne.s32 s2, $0x0  }
0x48: {  	s3 =	rddreg [dreg:$0x2];
	[bflag:$0x3] =	sbarrier.arrive $0xFFFF;
	s2 =	simm.s32 @!p0 $0x1C01  }
0x49: {  	[timem:s3], [sflag:s2] =	dma.local @!p0 [hbm:s0], s1  }
0x4a: {  	s0 =	simm.s32 @!p0 $0x1  }
0x4b: {  	_ =	swait.ge @!p0 [sflag:s0], s1  }
0x4c: {  	s1 =	ssub.s32 @!p0 $0x0, s1;
	[sflag:s0] =	ssyncset.done @!p0 $0x0  }
0x4d: {  	[sflag:s0] =	ssyncadd.s32 @!p0 s1  }
0x4e: {  	[bflag:$0x3] =	sbarrier.arrive $0xFFFF  }
0x4f: {  	_ =	shalt  }

</sc_bundles>
